<compile_context>
chip_gen: v7x
topology: tpu7x:2x2x1
jax: 0.10.2.dev20260603
libtpu: 0.0.44.dev20260713+nightly
codegen_flags: <defaults>
</compile_context>

<pallas_src>
import functools

import jax
import jax.numpy as jnp
from jax import lax
from jax.experimental import pallas as pl
from jax.experimental.pallas import tpu as pltpu
from jax.experimental.pallas import tpu_sc as plsc

T = 2048
D = 1024
H = 16
DH = 64
E = 8
F = 256
EPS = 1e-6
HD = H * DH

BT = 256
BQ = 512


def _rms(x, w):
    var = jnp.mean(x * x, axis=-1, keepdims=True)
    return x * lax.rsqrt(var + EPS) * w



def _embed_gather(table, idx):
    info = plsc.get_sparse_core_info()
    nw = info.num_cores * info.num_subcores
    b_per_w = T // nw
    mesh = plsc.VectorSubcoreMesh(core_axis_name="c", subcore_axis_name="s")

    @functools.partial(
        pl.kernel,
        mesh=mesh,
        out_type=jax.ShapeDtypeStruct((T, D), jnp.float32),
        scratch_types=[
            pltpu.VMEM((b_per_w,), jnp.int32),
            pltpu.VMEM((b_per_w, D), jnp.float32),
            pltpu.SemaphoreType.DMA,
        ],
    )
    def gather_k(table_hbm, idx_hbm, out_hbm, idx_v, rows_v, sem):
        wid = lax.axis_index("s") * info.num_cores + lax.axis_index("c")
        base = wid * b_per_w
        pltpu.sync_copy(idx_hbm.at[pl.ds(base, b_per_w)], idx_v)
        pltpu.async_copy(table_hbm.at[idx_v], rows_v, sem).wait()
        pltpu.sync_copy(rows_v, out_hbm.at[pl.ds(base, b_per_w)])

    return gather_k(table, idx)



def _rope_t(xt, c, s):
    parts = []
    for h in range(H):
        top = xt[h * DH:h * DH + DH // 2]
        bot = xt[h * DH + DH // 2:(h + 1) * DH]
        parts.append(jnp.concatenate([top * c - bot * s, bot * c + top * s],
                                     axis=0))
    return jnp.concatenate(parts, axis=0)


def _prelude_body(emb_ref, spec_ref, ehp_ref, wq_ref, wk_ref, wv_ref,
                  cos_ref, sin_ref, enw_ref, hnw_ref, ln1_ref,
                  res_ref, q_ref, k_ref, v_ref):
    en = _rms(emb_ref[...], enw_ref[...])
    hn = _rms(spec_ref[...], hnw_ref[...])
    x = (jnp.dot(en, ehp_ref[:D, :], preferred_element_type=jnp.float32)
         + jnp.dot(hn, ehp_ref[D:, :], preferred_element_type=jnp.float32))
    res_ref[...] = x
    hs = _rms(x, ln1_ref[...])
    c, s = cos_ref[...], sin_ref[...]
    tdot = lambda w: lax.dot_general(w, hs, (((0,), (1,)), ((), ())),
                                     preferred_element_type=jnp.float32)
    q_ref[...] = _rope_t(tdot(wq_ref[...]), c, s).astype(jnp.bfloat16)
    k_ref[...] = _rope_t(tdot(wk_ref[...]), c, s).astype(jnp.bfloat16)
    v_ref[...] = tdot(wv_ref[...]).astype(jnp.bfloat16)


def _prelude(emb, spec, ehp, wq, wk, wv, cos_t, sin_t, enw, hnw, ln1):
    grid = (T // BT,)
    tok = pl.BlockSpec((BT, D), lambda i: (i, 0))
    tokt = pl.BlockSpec((HD, BT), lambda i: (0, i))
    full = lambda shape: pl.BlockSpec(shape, lambda i: (0,) * len(shape))
    return pl.pallas_call(
        _prelude_body,
        grid=grid,
        in_specs=[tok, tok, full((2 * D, D)), full((D, HD)), full((D, HD)),
                  full((D, HD)),
                  pl.BlockSpec((DH // 2, BT), lambda i: (0, i)),
                  pl.BlockSpec((DH // 2, BT), lambda i: (0, i)),
                  full((1, D)), full((1, D)), full((1, D))],
        out_specs=[tok, tokt, tokt, tokt],
        out_shape=[jax.ShapeDtypeStruct((T, D), jnp.float32),
                   jax.ShapeDtypeStruct((HD, T), jnp.bfloat16),
                   jax.ShapeDtypeStruct((HD, T), jnp.bfloat16),
                   jax.ShapeDtypeStruct((HD, T), jnp.bfloat16)],
    )(emb, spec, ehp, wq, wk, wv, cos_t, sin_t, enw, hnw, ln1)



BK = 512


def _attn_post_body(q_ref, k_ref, v_ref, x_ref, wo_ref, ln2_ref, rw_ref,
                    wg_ref, wu_ref, wd_ref, fln_ref, out_ref, o_sc):
    i = pl.program_id(0)
    h = pl.program_id(1)
    dmask = (lax.broadcasted_iota(jnp.int32, (BK, BQ), 0)
             <= lax.broadcasted_iota(jnp.int32, (BK, BQ), 1))
    outs = []
    for hh in range(2):
        q = q_ref[0, hh * DH:(hh + 1) * DH, :]
        ones_blk = jnp.ones((8, BK), jnp.bfloat16)

        def chunk(j, carry, masked):
            m, acc_t = carry
            kc = k_ref[h, hh * DH:(hh + 1) * DH, pl.ds(j * BK, BK)]
            vc = jnp.concatenate(
                [v_ref[h, hh * DH:(hh + 1) * DH, pl.ds(j * BK, BK)], ones_blk],
                axis=0)
            st = lax.dot_general(kc, q, (((0,), (0,)), ((), ())),
                                 preferred_element_type=jnp.float32) * 0.125
            if masked:
                st = jnp.where(dmask, st, -1e30)
            m_new = jnp.maximum(m, jnp.max(st, axis=0, keepdims=True))
            alpha = jnp.exp(m - m_new)
            p = jnp.exp(st - m_new)
            acc_t_new = acc_t * alpha + jnp.dot(
                vc, p.astype(jnp.bfloat16), preferred_element_type=jnp.float32)
            return m_new, acc_t_new

        init = (jnp.full((1, BQ), -1e30, jnp.float32),
                jnp.zeros((DH + 8, BQ), jnp.float32))
        carry = lax.fori_loop(0, i, lambda j, c: chunk(j, c, False), init)
        m, acc_t = chunk(i, carry, True)
        outs.append(acc_t[:DH] / acc_t[DH:DH + 1])
    o_sc[h] = jnp.concatenate(outs, axis=0)

    @pl.when(h == H // 2 - 1)
    def _post_stage():
        o_all = o_sc[...].reshape(HD, BQ)
        attn = lax.dot_general(o_all, wo_ref[...], (((0,), (0,)), ((), ())),
                               preferred_element_type=jnp.float32)
        resid = x_ref[...] + attn
        hs = _rms(resid, ln2_ref[...])
        hsb = hs.astype(jnp.bfloat16)
        logits = jnp.dot(hs, rw_ref[...], preferred_element_type=jnp.float32)
        mx = jnp.max(logits, axis=-1, keepdims=True)
        ex = jnp.exp(logits - mx)
        probs = ex / jnp.sum(ex, axis=-1, keepdims=True)
        ii = lax.broadcasted_iota(jnp.int32, (BQ, E), 1)
        t1 = jnp.max(probs, axis=-1, keepdims=True)
        a1 = jnp.min(jnp.where(probs == t1, ii, E), axis=-1, keepdims=True)
        sel1 = ii == a1
        p2 = jnp.where(sel1, -1.0, probs)
        t2 = jnp.max(p2, axis=-1, keepdims=True)
        a2 = jnp.min(jnp.where(p2 == t2, ii, E), axis=-1, keepdims=True)
        sel2 = ii == a2
        we = (jnp.where(sel1, t1, 0.0) + jnp.where(sel2, t2, 0.0)) / (t1 + t2)
        acc = jnp.zeros((BQ, D), jnp.float32)
        for e in range(E):
            g = jnp.dot(hsb, wg_ref[e], preferred_element_type=jnp.float32)
            u = jnp.dot(hsb, wu_ref[e], preferred_element_type=jnp.float32)
            act = (g / (1.0 + jnp.exp(-g)) * u).astype(jnp.bfloat16)
            acc = acc + we[:, e:e + 1] * jnp.dot(
                act, wd_ref[e], preferred_element_type=jnp.float32)
        out_ref[...] = _rms(resid + acc, fln_ref[...])


def _attn_post(q, k, v, x, wo, ln2, rw, wg, wu, wd, fln):
    grid = (T // BQ, H // 2)
    full = lambda shape: pl.BlockSpec(shape, lambda i, h: (0,) * len(shape))
    return pl.pallas_call(
        _attn_post_body,
        grid=grid,
        in_specs=[
            pl.BlockSpec((1, 2 * DH, BQ), lambda i, h: (h, 0, i)),
            full((H // 2, 2 * DH, T)),
            full((H // 2, 2 * DH, T)),
            pl.BlockSpec((BQ, D), lambda i, h: (i, 0)),
            full((HD, D)), full((1, D)), full((D, E)),
            full((E, D, F)), full((E, D, F)), full((E, F, D)),
            full((1, D)),
        ],
        out_specs=pl.BlockSpec((BQ, D), lambda i, h: (i, 0)),
        out_shape=jax.ShapeDtypeStruct((T, D), jnp.float32),
        scratch_shapes=[pltpu.VMEM((H // 2, 2 * DH, BQ), jnp.float32)],
    )(q, k, v, x, wo, ln2, rw, wg, wu, wd, fln)




def kernel(input_ids, positions, spec_hidden, emb_table, enorm_w, hnorm_w,
           eh_proj_w, ln1_w, wq, wk, wv, wo, ln2_w, router_w, w_gate, w_up,
           w_down, final_ln_w):
    ids = input_ids.astype(jnp.int32)
    emb = _embed_gather(emb_table, ids)

    inv = 1.0 / (10000.0 ** (jnp.arange(0, DH, 2, dtype=jnp.float32) / DH))
    ang = inv[:, None] * positions.astype(jnp.float32)[None, :]
    cos_t = jnp.cos(ang)
    sin_t = jnp.sin(ang)

    res, q, k, v = _prelude(emb, spec_hidden, eh_proj_w, wq, wk, wv,
                            cos_t, sin_t,
                            enorm_w.reshape(1, D), hnorm_w.reshape(1, D),
                            ln1_w.reshape(1, D))
    q3 = q.reshape(H // 2, 2 * DH, T)
    k3 = k.reshape(H // 2, 2 * DH, T)
    v3 = v.reshape(H // 2, 2 * DH, T)
    bf = lambda w: w.astype(jnp.bfloat16)
    return _attn_post(q3, k3, v3, res, wo, ln2_w.reshape(1, D), router_w,
                      bf(w_gate), bf(w_up), bf(w_down),
                      final_ln_w.reshape(1, D))

# --- scband reference (transcript-rebuilt; emitter-appended) ---
"""Pipeline reference for scband-bailing-mo-emodel-next-n-11742440587315 (READ-ONLY COPY).

The authoritative reference and input builder live on the scoring server;
editing this copy changes nothing except your own understanding.
"""

import jax, jax.numpy as jnp
import numpy as np

T = 2048
D = 1024
H = 16
DH = 64
E = 8
K = 2
F = 256
V = 100000
EPS = 1e-6


def _rms(x, w):
    var = jnp.mean(x * x, axis=-1, keepdims=True)
    return x * jax.lax.rsqrt(var + EPS) * w


def _rope(x, positions):
    dh = x.shape[-1]
    inv = 1.0 / (10000.0 ** (jnp.arange(0, dh, 2, dtype=jnp.float32) / dh))
    ang = positions.astype(jnp.float32)[:, None] * inv[None, :]
    cos = jnp.concatenate([jnp.cos(ang), jnp.cos(ang)], axis=-1)[:, None, :]
    sin = jnp.concatenate([jnp.sin(ang), jnp.sin(ang)], axis=-1)[:, None, :]
    x1 = x[..., : dh // 2]
    x2 = x[..., dh // 2 :]
    rot = jnp.concatenate([-x2, x1], axis=-1)
    return x * cos + rot * sin


def setup_inputs(seed: int = 0) -> dict:
    key = jax.random.key(seed)
    ks = jax.random.split(key, 18)
    inp = {}
    inp['input_ids'] = jax.random.randint(ks[0], (T,), 0, V)
    inp['positions'] = jnp.arange(T, dtype=jnp.int32)
    inp['spec_hidden'] = jax.random.normal(ks[1], (T, D), dtype=jnp.float32)
    inp['emb_table'] = jax.random.normal(ks[2], (V, D), dtype=jnp.float32) * 0.02
    inp['enorm_w'] = jnp.ones((D,), dtype=jnp.float32)
    inp['hnorm_w'] = jnp.ones((D,), dtype=jnp.float32)
    inp['eh_proj_w'] = jax.random.normal(ks[3], (2 * D, D), dtype=jnp.float32) * 0.02
    inp['ln1_w'] = jnp.ones((D,), dtype=jnp.float32)
    inp['wq'] = jax.random.normal(ks[4], (D, H * DH), dtype=jnp.float32) * 0.02
    inp['wk'] = jax.random.normal(ks[5], (D, H * DH), dtype=jnp.float32) * 0.02
    inp['wv'] = jax.random.normal(ks[6], (D, H * DH), dtype=jnp.float32) * 0.02
    inp['wo'] = jax.random.normal(ks[7], (H * DH, D), dtype=jnp.float32) * 0.02
    inp['ln2_w'] = jnp.ones((D,), dtype=jnp.float32)
    inp['router_w'] = jax.random.normal(ks[8], (D, E), dtype=jnp.float32) * 0.02
    inp['w_gate'] = jax.random.normal(ks[9], (E, D, F), dtype=jnp.float32) * 0.02
    inp['w_up'] = jax.random.normal(ks[10], (E, D, F), dtype=jnp.float32) * 0.02
    inp['w_down'] = jax.random.normal(ks[11], (E, F, D), dtype=jnp.float32) * 0.02
    inp['final_ln_w'] = jnp.ones((D,), dtype=jnp.float32)
    return inp


def _forward(input_ids, positions, spec_hidden, emb_table, enorm_w, hnorm_w, eh_proj_w,
             ln1_w, wq, wk, wv, wo, ln2_w, router_w, w_gate, w_up, w_down, final_ln_w):
    # word embedding lookup (VocabParallelEmbedding)
    h = jnp.take(emb_table, input_ids, axis=0)
    # eh_proj(cat(enorm(emb), hnorm(spec_hidden)))
    x = jnp.concatenate([_rms(h, enorm_w), _rms(spec_hidden, hnorm_w)], axis=-1) @ eh_proj_w
    t = x.shape[0]
    # decoder block: input RMSNorm (fused add-norm pattern, residual starts as hidden)
    residual = x
    hs = _rms(x, ln1_w)
    # self-attention with RoPE, causal
    q = (hs @ wq).reshape(t, H, DH)
    k = (hs @ wk).reshape(t, H, DH)
    v = (hs @ wv).reshape(t, H, DH)
    q = _rope(q, positions)
    k = _rope(k, positions)
    att = jnp.einsum('thd,shd->hts', q, k) / jnp.sqrt(jnp.float32(DH))
    mask = jnp.tril(jnp.ones((t, t), dtype=bool))
    att = jnp.where(mask[None, :, :], att, jnp.float32(-1e30))
    p = jax.nn.softmax(att, axis=-1)
    o = jnp.einsum('hts,shd->thd', p, v).reshape(t, H * DH) @ wo
    # post-attention RMSNorm with residual add
    residual = residual + o
    hs = _rms(residual, ln2_w)
    # MoE: softmax router, top-k, renormalize
    logits = hs @ router_w
    probs = jax.nn.softmax(logits, axis=-1)
    tw, ti = jax.lax.top_k(probs, K)
    tw = tw / jnp.sum(tw, axis=-1, keepdims=True)
    out = jnp.zeros_like(hs)
    for e in range(E):
        we = jnp.sum(jnp.where(ti == e, tw, 0.0), axis=-1)
        g = hs @ w_gate[e]
        u = hs @ w_up[e]
        y = (jax.nn.silu(g) * u) @ w_down[e]
        out = out + we[:, None] * y
    # final layernorm with residual
    return _rms(residual + out, final_ln_w)


def reference(input_ids, positions, spec_hidden, emb_table, enorm_w, hnorm_w, eh_proj_w,
              ln1_w, wq, wk, wv, wo, ln2_w, router_w, w_gate, w_up, w_down, final_ln_w):
    return _forward(input_ids, positions, spec_hidden, emb_table, enorm_w, hnorm_w, eh_proj_w,
                    ln1_w, wq, wk, wv, wo, ln2_w, router_w, w_gate, w_up, w_down, final_ln_w)

if __name__ == "__main__":
    import jax
    _d = setup_inputs()
    print(jax.jit(kernel)(*tuple(_d.values())))

</pallas_src>

<mosaic_0001>
#map = affine_map<(d0, d1) -> (0, 0)>
#map1 = affine_map<(d0, d1) -> (0)>
module attributes {stable_mosaic.version = 14 : i64} {
  func.func @gather_k(%arg0: i32, %arg1: i32, %arg2: memref<100000x1024xf32, #tpu.memory_space<hbm>>, %arg3: memref<2048xi32, #tpu.memory_space<hbm>>, %arg4: memref<2048x1024xf32, #tpu.memory_space<hbm>>, %arg5: memref<64xi32, #tpu.memory_space<vmem>>, %arg6: memref<64x1024xf32, #tpu.memory_space<vmem>>, %arg7: memref<!tpu.dma_semaphore, #tpu.memory_space<semaphore_mem>>) attributes {dimension_semantics = [#tpu.dimension_semantics<core_parallel>, #tpu.dimension_semantics<subcore_parallel>], iteration_bounds = array<i64: 2, 16>, scalar_prefetch = 0 : i64, scratch_operands = 3 : i64, tpu.core_type = #tpu.core_type<sc_vector_subcore>, window_params = [{transform_indices = #map}, {transform_indices = #map1}, {transform_indices = #map}]} {
    %mul3A = arith.constant 2 : i32
    %mul3A_0 = arith.muli %arg1, %mul3A : i32
    %add3A = arith.addi %mul3A_0, %arg0 : i32
    %mul3A_1 = arith.constant 64 : i32
    %mul3A_2 = arith.muli %add3A, %mul3A_1 : i32
    "tpu.region"() ({
      %run_scoped3A = tpu.sem_alloc : memref<!tpu.dma_semaphore, #tpu.memory_space<semaphore_mem>>
      %dma_start3A_7 = tpu.memref_slice %arg3[%mul3A_2] : memref<2048xi32, #tpu.memory_space<hbm>> -> memref<64xi32, #tpu.memory_space<hbm>>
      %dma_start3A_8 = tpu.memref_slice %arg3[%mul3A_2] : memref<2048xi32, #tpu.memory_space<hbm>> -> memref<64xi32, #tpu.memory_space<hbm>>
      tpu.enqueue_dma source(%dma_start3A_8 : memref<64xi32, #tpu.memory_space<hbm>>) target(%arg5 : memref<64xi32, #tpu.memory_space<vmem>>) target_semaphore(%run_scoped3A : memref<!tpu.dma_semaphore, #tpu.memory_space<semaphore_mem>>)
      %dma_wait3A_9 = tpu.memref_slice %arg3[%mul3A_2] : memref<2048xi32, #tpu.memory_space<hbm>> -> memref<64xi32, #tpu.memory_space<hbm>>
      %dma_wait3A_10 = tpu.memref_slice %arg3[%mul3A_2] : memref<2048xi32, #tpu.memory_space<hbm>> -> memref<64xi32, #tpu.memory_space<hbm>>
      tpu.wait_dma2 semaphore(%run_scoped3A : memref<!tpu.dma_semaphore, #tpu.memory_space<semaphore_mem>>) src(%dma_wait3A_10 : memref<64xi32, #tpu.memory_space<hbm>>) dst(%arg5 : memref<64xi32, #tpu.memory_space<vmem>>)
      tpu.yield
    }) : () -> ()
    %dma_start3A = arith.constant 0 : i32
    %dma_start3A_3 = arith.constant 0 : i32
    %dma_start3A_4 = tpu.memref_slice %arg2[%dma_start3A, %dma_start3A_3] : memref<100000x1024xf32, #tpu.memory_space<hbm>> -> memref<100000x1024xf32, #tpu.memory_space<hbm>>
    tpu.enqueue_indirect_dma source(%dma_start3A_4 : memref<100000x1024xf32, #tpu.memory_space<hbm>>) target(%arg6 : memref<64x1024xf32, #tpu.memory_space<vmem>>) offsets(%arg5 : memref<64xi32, #tpu.memory_space<vmem>>) semaphore(%arg7 : memref<!tpu.dma_semaphore, #tpu.memory_space<semaphore_mem>>)
    %dma_wait3A = arith.constant 0 : i32
    %dma_wait3A_5 = arith.constant 0 : i32
    %dma_wait3A_6 = tpu.memref_slice %arg2[%dma_wait3A, %dma_wait3A_5] : memref<100000x1024xf32, #tpu.memory_space<hbm>> -> memref<100000x1024xf32, #tpu.memory_space<hbm>>
    tpu.wait_indirect_dma semaphore(%arg7 : memref<!tpu.dma_semaphore, #tpu.memory_space<semaphore_mem>>) src(%dma_wait3A_6 : memref<100000x1024xf32, #tpu.memory_space<hbm>>) dst(%arg6 : memref<64x1024xf32, #tpu.memory_space<vmem>>)
    "tpu.region"() ({
      %run_scoped3A = tpu.sem_alloc : memref<!tpu.dma_semaphore, #tpu.memory_space<semaphore_mem>>
      %dma_start3A_7 = arith.constant 0 : i32
      %dma_start3A_8 = tpu.memref_slice %arg4[%mul3A_2, %dma_start3A_7] : memref<2048x1024xf32, #tpu.memory_space<hbm>> -> memref<64x1024xf32, #tpu.memory_space<hbm>>
      %dma_start3A_9 = arith.constant 0 : i32
      %dma_start3A_10 = tpu.memref_slice %arg4[%mul3A_2, %dma_start3A_9] : memref<2048x1024xf32, #tpu.memory_space<hbm>> -> memref<64x1024xf32, #tpu.memory_space<hbm>>
      tpu.enqueue_dma source(%arg6 : memref<64x1024xf32, #tpu.memory_space<vmem>>) target(%dma_start3A_10 : memref<64x1024xf32, #tpu.memory_space<hbm>>) target_semaphore(%run_scoped3A : memref<!tpu.dma_semaphore, #tpu.memory_space<semaphore_mem>>)
      %dma_wait3A_11 = arith.constant 0 : i32
      %dma_wait3A_12 = tpu.memref_slice %arg4[%mul3A_2, %dma_wait3A_11] : memref<2048x1024xf32, #tpu.memory_space<hbm>> -> memref<64x1024xf32, #tpu.memory_space<hbm>>
      %dma_wait3A_13 = arith.constant 0 : i32
      %dma_wait3A_14 = tpu.memref_slice %arg4[%mul3A_2, %dma_wait3A_13] : memref<2048x1024xf32, #tpu.memory_space<hbm>> -> memref<64x1024xf32, #tpu.memory_space<hbm>>
      tpu.wait_dma2 semaphore(%run_scoped3A : memref<!tpu.dma_semaphore, #tpu.memory_space<semaphore_mem>>) src(%arg6 : memref<64x1024xf32, #tpu.memory_space<vmem>>) dst(%dma_wait3A_14 : memref<64x1024xf32, #tpu.memory_space<hbm>>)
      tpu.yield
    }) : () -> ()
    return
  }
}

module attributes {stable_mosaic.version = 14 : i64} {
  func.func @_prelude_body(%arg0: i32, %arg1: memref<256x1024xf32, #tpu.memory_space<vmem>>, %arg2: memref<256x1024xf32, #tpu.memory_space<vmem>>, %arg3: memref<2048x1024xf32, #tpu.memory_space<vmem>>, %arg4: memref<1024x1024xf32, #tpu.memory_space<vmem>>, %arg5: memref<1024x1024xf32, #tpu.memory_space<vmem>>, %arg6: memref<1024x1024xf32, #tpu.memory_space<vmem>>, %arg7: memref<32x256xf32, #tpu.memory_space<vmem>>, %arg8: memref<32x256xf32, #tpu.memory_space<vmem>>, %arg9: memref<1x1024xf32, #tpu.memory_space<vmem>>, %arg10: memref<1x1024xf32, #tpu.memory_space<vmem>>, %arg11: memref<1x1024xf32, #tpu.memory_space<vmem>>, %arg12: memref<256x1024xf32, #tpu.memory_space<vmem>>, %arg13: memref<1024x256xbf16, #tpu.memory_space<vmem>>, %arg14: memref<1024x256xbf16, #tpu.memory_space<vmem>>, %arg15: memref<1024x256xbf16, #tpu.memory_space<vmem>>) attributes {dimension_semantics = [#tpu.dimension_semantics<arbitrary>], iteration_bounds = array<i64: 8>, scalar_prefetch = 0 : i64, scratch_operands = 0 : i64, tpu.core_type = #tpu.core_type<tc>, window_params = [{transform_indices = @transform_0, window_bounds = array<i64: 256, 1024>}, {transform_indices = @transform_1, window_bounds = array<i64: 256, 1024>}, {pipeline_mode = #tpu.pipeline_mode<synchronous>, transform_indices = @transform_2, window_bounds = array<i64: 2048, 1024>}, {pipeline_mode = #tpu.pipeline_mode<synchronous>, transform_indices = @transform_3, window_bounds = array<i64: 1024, 1024>}, {pipeline_mode = #tpu.pipeline_mode<synchronous>, transform_indices = @transform_4, window_bounds = array<i64: 1024, 1024>}, {pipeline_mode = #tpu.pipeline_mode<synchronous>, transform_indices = @transform_5, window_bounds = array<i64: 1024, 1024>}, {transform_indices = @transform_6, window_bounds = array<i64: 32, 256>}, {transform_indices = @transform_7, window_bounds = array<i64: 32, 256>}, {pipeline_mode = #tpu.pipeline_mode<synchronous>, transform_indices = @transform_8, window_bounds = array<i64: 1, 1024>}, {pipeline_mode = #tpu.pipeline_mode<synchronous>, transform_indices = @transform_9, window_bounds = array<i64: 1, 1024>}, {pipeline_mode = #tpu.pipeline_mode<synchronous>, transform_indices = @transform_10, window_bounds = array<i64: 1, 1024>}, {transform_indices = @transform_11, window_bounds = array<i64: 256, 1024>}, {transform_indices = @transform_12, window_bounds = array<i64: 1024, 256>}, {transform_indices = @transform_13, window_bounds = array<i64: 1024, 256>}, {transform_indices = @transform_14, window_bounds = array<i64: 1024, 256>}]} {
    %get3A = arith.constant 0 : index
    %get3A_0 = arith.constant 0 : index
    %get3A_1 = vector.load %arg1[%get3A, %get3A_0] : memref<256x1024xf32, #tpu.memory_space<vmem>>, vector<256x1024xf32>
    %get3A_2 = arith.constant 0 : index
    %get3A_3 = arith.constant 0 : index
    %get3A_4 = vector.load %arg9[%get3A_2, %get3A_3] : memref<1x1024xf32, #tpu.memory_space<vmem>>, vector<1x1024xf32>
    %mul3A = arith.mulf %get3A_1, %get3A_1 : vector<256x1024xf32>
    %reduce_sum3A = arith.constant dense<0.000000e+00> : vector<256xf32>
    %reduce_sum3A_5 = vector.multi_reduction <add>, %mul3A, %reduce_sum3A [1] : vector<256x1024xf32> to vector<256xf32>
    %broadcast_in_dim3A = vector.shape_cast %reduce_sum3A_5 : vector<256xf32> to vector<256x1xf32>
    %div3A = arith.constant 1.024000e+03 : f32
    %div3A_6 = vector.broadcast %div3A : f32 to vector<256x1xf32>
    %div3A_7 = arith.divf %broadcast_in_dim3A, %div3A_6 : vector<256x1xf32>
    %add3A = arith.constant 9.99999997E-7 : f32
    %add3A_8 = vector.broadcast %add3A : f32 to vector<256x1xf32>
    %add3A_9 = arith.addf %div3A_7, %add3A_8 : vector<256x1xf32>
    %rsqrt3A = math.rsqrt %add3A_9 : vector<256x1xf32>
    %mul3A_10 = vector.broadcast %rsqrt3A : vector<256x1xf32> to vector<256x1024xf32>
    %mul3A_11 = arith.mulf %get3A_1, %mul3A_10 : vector<256x1024xf32>
    %mul3A_12 = vector.broadcast %get3A_4 : vector<1x1024xf32> to vector<256x1024xf32>
    %mul3A_13 = arith.mulf %mul3A_11, %mul3A_12 : vector<256x1024xf32>
    %get3A_14 = arith.constant 0 : index
    %get3A_15 = arith.constant 0 : index
    %get3A_16 = vector.load %arg2[%get3A_14, %get3A_15] : memref<256x1024xf32, #tpu.memory_space<vmem>>, vector<256x1024xf32>
    %get3A_17 = arith.constant 0 : index
    %get3A_18 = arith.constant 0 : index
    %get3A_19 = vector.load %arg10[%get3A_17, %get3A_18] : memref<1x1024xf32, #tpu.memory_space<vmem>>, vector<1x1024xf32>
    %mul3A_20 = arith.mulf %get3A_16, %get3A_16 : vector<256x1024xf32>
    %reduce_sum3A_21 = arith.constant dense<0.000000e+00> : vector<256xf32>
    %reduce_sum3A_22 = vector.multi_reduction <add>, %mul3A_20, %reduce_sum3A_21 [1] : vector<256x1024xf32> to vector<256xf32>
    %broadcast_in_dim3A_23 = vector.shape_cast %reduce_sum3A_22 : vector<256xf32> to vector<256x1xf32>
    %div3A_24 = arith.constant 1.024000e+03 : f32
    %div3A_25 = vector.broadcast %div3A_24 : f32 to vector<256x1xf32>
    %div3A_26 = arith.divf %broadcast_in_dim3A_23, %div3A_25 : vector<256x1xf32>
    %add3A_27 = arith.constant 9.99999997E-7 : f32
    %add3A_28 = vector.broadcast %add3A_27 : f32 to vector<256x1xf32>
    %add3A_29 = arith.addf %div3A_26, %add3A_28 : vector<256x1xf32>
    %rsqrt3A_30 = math.rsqrt %add3A_29 : vector<256x1xf32>
    %mul3A_31 = vector.broadcast %rsqrt3A_30 : vector<256x1xf32> to vector<256x1024xf32>
    %mul3A_32 = arith.mulf %get3A_16, %mul3A_31 : vector<256x1024xf32>
    %mul3A_33 = vector.broadcast %get3A_19 : vector<1x1024xf32> to vector<256x1024xf32>
    %mul3A_34 = arith.mulf %mul3A_32, %mul3A_33 : vector<256x1024xf32>
    %get3A_35 = arith.constant 0 : index
    %get3A_36 = arith.constant 0 : index
    %get3A_37 = vector.load %arg3[%get3A_35, %get3A_36] : memref<2048x1024xf32, #tpu.memory_space<vmem>>, vector<1024x1024xf32>
    %dot_general3A = arith.constant dense<0.000000e+00> : vector<256x1024xf32>
    %dot_general3A_38 = tpu.matmul %mul3A_13, %get3A_37, %dot_general3A {dimension_numbers = #tpu.dot_dimension_numbers<[1], [0], [0], [1], [0, 0, 1, 1], [], []>, transpose_lhs_hint = false} : vector<256x1024xf32>, vector<1024x1024xf32>, vector<256x1024xf32> -> vector<256x1024xf32>
    %get3A_39 = arith.constant 1024 : index
    %get3A_40 = arith.constant 0 : index
    %get3A_41 = vector.load %arg3[%get3A_39, %get3A_40] : memref<2048x1024xf32, #tpu.memory_space<vmem>>, vector<1024x1024xf32>
    %dot_general3A_42 = arith.constant dense<0.000000e+00> : vector<256x1024xf32>
    %dot_general3A_43 = tpu.matmul %mul3A_34, %get3A_41, %dot_general3A_42 {dimension_numbers = #tpu.dot_dimension_numbers<[1], [0], [0], [1], [0, 0, 1, 1], [], []>, transpose_lhs_hint = false} : vector<256x1024xf32>, vector<1024x1024xf32>, vector<256x1024xf32> -> vector<256x1024xf32>
    %add3A_44 = arith.addf %dot_general3A_38, %dot_general3A_43 : vector<256x1024xf32>
    %swap3A = arith.constant 0 : index
    %swap3A_45 = arith.constant 0 : index
    %swap3A_46 = vector.load %arg12[%swap3A, %swap3A_45] : memref<256x1024xf32, #tpu.memory_space<vmem>>, vector<256x1024xf32>
    tpu.vector_store %arg12[%swap3A, %swap3A_45], %add3A_44 {strides = array<i32>} : memref<256x1024xf32, #tpu.memory_space<vmem>>, vector<256x1024xf32>,
    %get3A_47 = arith.constant 0 : index
    %get3A_48 = arith.constant 0 : index
    %get3A_49 = vector.load %arg11[%get3A_47, %get3A_48] : memref<1x1024xf32, #tpu.memory_space<vmem>>, vector<1x1024xf32>
    %mul3A_50 = arith.mulf %add3A_44, %add3A_44 : vector<256x1024xf32>
    %reduce_sum3A_51 = arith.constant dense<0.000000e+00> : vector<256xf32>
    %reduce_sum3A_52 = vector.multi_reduction <add>, %mul3A_50, %reduce_sum3A_51 [1] : vector<256x1024xf32> to vector<256xf32>
    %broadcast_in_dim3A_53 = vector.shape_cast %reduce_sum3A_52 : vector<256xf32> to vector<256x1xf32>
    %div3A_54 = arith.constant 1.024000e+03 : f32
    %div3A_55 = vector.broadcast %div3A_54 : f32 to vector<256x1xf32>
    %div3A_56 = arith.divf %broadcast_in_dim3A_53, %div3A_55 : vector<256x1xf32>
    %add3A_57 = arith.constant 9.99999997E-7 : f32
    %add3A_58 = vector.broadcast %add3A_57 : f32 to vector<256x1xf32>
    %add3A_59 = arith.addf %div3A_56, %add3A_58 : vector<256x1xf32>
    %rsqrt3A_60 = math.rsqrt %add3A_59 : vector<256x1xf32>
    %mul3A_61 = vector.broadcast %rsqrt3A_60 : vector<256x1xf32> to vector<256x1024xf32>
    %mul3A_62 = arith.mulf %add3A_44, %mul3A_61 : vector<256x1024xf32>
    %mul3A_63 = vector.broadcast %get3A_49 : vector<1x1024xf32> to vector<256x1024xf32>
    %mul3A_64 = arith.mulf %mul3A_62, %mul3A_63 : vector<256x1024xf32>
    %get3A_65 = arith.constant 0 : index
    %get3A_66 = arith.constant 0 : index
    %get3A_67 = vector.load %arg7[%get3A_65, %get3A_66] : memref<32x256xf32, #tpu.memory_space<vmem>>, vector<32x256xf32>
    %get3A_68 = arith.constant 0 : index
    %get3A_69 = arith.constant 0 : index
    %get3A_70 = vector.load %arg8[%get3A_68, %get3A_69] : memref<32x256xf32, #tpu.memory_space<vmem>>, vector<32x256xf32>
    %get3A_71 = arith.constant 0 : index
    %get3A_72 = arith.constant 0 : index
    %get3A_73 = vector.load %arg4[%get3A_71, %get3A_72] : memref<1024x1024xf32, #tpu.memory_space<vmem>>, vector<1024x1024xf32>
    %dot_general3A_74 = arith.constant dense<0.000000e+00> : vector<1024x256xf32>
    %dot_general3A_75 = tpu.matmul %get3A_73, %mul3A_64, %dot_general3A_74 {dimension_numbers = #tpu.dot_dimension_numbers<[0], [1], [1], [0], [0, 1, 1, 0], [], []>, transpose_lhs_hint = false} : vector<1024x1024xf32>, vector<256x1024xf32>, vector<1024x256xf32> -> vector<1024x256xf32>
    %slice3A = vector.extract_strided_slice %dot_general3A_75 {offsets = [0, 0], sizes = [32, 256], strides = [1, 1]} : vector<1024x256xf32> to vector<32x256xf32>
    %slice3A_76 = vector.extract_strided_slice %dot_general3A_75 {offsets = [32, 0], sizes = [32, 256], strides = [1, 1]} : vector<1024x256xf32> to vector<32x256xf32>
    %mul3A_77 = arith.mulf %slice3A, %get3A_67 : vector<32x256xf32>
    %mul3A_78 = arith.mulf %slice3A_76, %get3A_70 : vector<32x256xf32>
    %sub3A = arith.subf %mul3A_77, %mul3A_78 : vector<32x256xf32>
    %mul3A_79 = arith.mulf %slice3A_76, %get3A_67 : vector<32x256xf32>
    %mul3A_80 = arith.mulf %slice3A, %get3A_70 : vector<32x256xf32>
    %add3A_81 = arith.addf %mul3A_79, %mul3A_80 : vector<32x256xf32>
    %concatenate3A = tpu.concatenate %sub3A, %add3A_81 in 0 : vector<32x256xf32>, vector<32x256xf32> -> vector<64x256xf32>
    %slice3A_82 = vector.extract_strided_slice %dot_general3A_75 {offsets = [64, 0], sizes = [32, 256], strides = [1, 1]} : vector<1024x256xf32> to vector<32x256xf32>
    %slice3A_83 = vector.extract_strided_slice %dot_general3A_75 {offsets = [96, 0], sizes = [32, 256], strides = [1, 1]} : vector<1024x256xf32> to vector<32x256xf32>
    %mul3A_84 = arith.mulf %slice3A_82, %get3A_67 : vector<32x256xf32>
    %mul3A_85 = arith.mulf %slice3A_83, %get3A_70 : vector<32x256xf32>
    %sub3A_86 = arith.subf %mul3A_84, %mul3A_85 : vector<32x256xf32>
    %mul3A_87 = arith.mulf %slice3A_83, %get3A_67 : vector<32x256xf32>
    %mul3A_88 = arith.mulf %slice3A_82, %get3A_70 : vector<32x256xf32>
    %add3A_89 = arith.addf %mul3A_87, %mul3A_88 : vector<32x256xf32>
    %concatenate3A_90 = tpu.concatenate %sub3A_86, %add3A_89 in 0 : vector<32x256xf32>, vector<32x256xf32> -> vector<64x256xf32>
    %slice3A_91 = vector.extract_strided_slice %dot_general3A_75 {offsets = [128, 0], sizes = [32, 256], strides = [1, 1]} : vector<1024x256xf32> to vector<32x256xf32>
    %slice3A_92 = vector.extract_strided_slice %dot_general3A_75 {offsets = [160, 0], sizes = [32, 256], strides = [1, 1]} : vector<1024x256xf32> to vector<32x256xf32>
    %mul3A_93 = arith.mulf %slice3A_91, %get3A_67 : vector<32x256xf32>
    %mul3A_94 = arith.mulf %slice3A_92, %get3A_70 : vector<32x256xf32>
    %sub3A_95 = arith.subf %mul3A_93, %mul3A_94 : vector<32x256xf32>
    %mul3A_96 = arith.mulf %slice3A_92, %get3A_67 : vector<32x256xf32>
    %mul3A_97 = arith.mulf %slice3A_91, %get3A_70 : vector<32x256xf32>
    %add3A_98 = arith.addf %mul3A_96, %mul3A_97 : vector<32x256xf32>
    %concatenate3A_99 = tpu.concatenate %sub3A_95, %add3A_98 in 0 : vector<32x256xf32>, vector<32x256xf32> -> vector<64x256xf32>
    %slice3A_100 = vector.extract_strided_slice %dot_general3A_75 {offsets = [192, 0], sizes = [32, 256], strides = [1, 1]} : vector<1024x256xf32> to vector<32x256xf32>
    %slice3A_101 = vector.extract_strided_slice %dot_general3A_75 {offsets = [224, 0], sizes = [32, 256], strides = [1, 1]} : vector<1024x256xf32> to vector<32x256xf32>
    %mul3A_102 = arith.mulf %slice3A_100, %get3A_67 : vector<32x256xf32>
    %mul3A_103 = arith.mulf %slice3A_101, %get3A_70 : vector<32x256xf32>
    %sub3A_104 = arith.subf %mul3A_102, %mul3A_103 : vector<32x256xf32>
    %mul3A_105 = arith.mulf %slice3A_101, %get3A_67 : vector<32x256xf32>
    %mul3A_106 = arith.mulf %slice3A_100, %get3A_70 : vector<32x256xf32>
    %add3A_107 = arith.addf %mul3A_105, %mul3A_106 : vector<32x256xf32>
    %concatenate3A_108 = tpu.concatenate %sub3A_104, %add3A_107 in 0 : vector<32x256xf32>, vector<32x256xf32> -> vector<64x256xf32>
    %slice3A_109 = vector.extract_strided_slice %dot_general3A_75 {offsets = [256, 0], sizes = [32, 256], strides = [1, 1]} : vector<1024x256xf32> to vector<32x256xf32>
    %slice3A_110 = vector.extract_strided_slice %dot_general3A_75 {offsets = [288, 0], sizes = [32, 256], strides = [1, 1]} : vector<1024x256xf32> to vector<32x256xf32>
    %mul3A_111 = arith.mulf %slice3A_109, %get3A_67 : vector<32x256xf32>
    %mul3A_112 = arith.mulf %slice3A_110, %get3A_70 : vector<32x256xf32>
    %sub3A_113 = arith.subf %mul3A_111, %mul3A_112 : vector<32x256xf32>
    %mul3A_114 = arith.mulf %slice3A_110, %get3A_67 : vector<32x256xf32>
    %mul3A_115 = arith.mulf %slice3A_109, %get3A_70 : vector<32x256xf32>
    %add3A_116 = arith.addf %mul3A_114, %mul3A_115 : vector<32x256xf32>
    %concatenate3A_117 = tpu.concatenate %sub3A_113, %add3A_116 in 0 : vector<32x256xf32>, vector<32x256xf32> -> vector<64x256xf32>
    %slice3A_118 = vector.extract_strided_slice %dot_general3A_75 {offsets = [320, 0], sizes = [32, 256], strides = [1, 1]} : vector<1024x256xf32> to vector<32x256xf32>
    %slice3A_119 = vector.extract_strided_slice %dot_general3A_75 {offsets = [352, 0], sizes = [32, 256], strides = [1, 1]} : vector<1024x256xf32> to vector<32x256xf32>
    %mul3A_120 = arith.mulf %slice3A_118, %get3A_67 : vector<32x256xf32>
    %mul3A_121 = arith.mulf %slice3A_119, %get3A_70 : vector<32x256xf32>
    %sub3A_122 = arith.subf %mul3A_120, %mul3A_121 : vector<32x256xf32>
    %mul3A_123 = arith.mulf %slice3A_119, %get3A_67 : vector<32x256xf32>
    %mul3A_124 = arith.mulf %slice3A_118, %get3A_70 : vector<32x256xf32>
    %add3A_125 = arith.addf %mul3A_123, %mul3A_124 : vector<32x256xf32>
    %concatenate3A_126 = tpu.concatenate %sub3A_122, %add3A_125 in 0 : vector<32x256xf32>, vector<32x256xf32> -> vector<64x256xf32>
    %slice3A_127 = vector.extract_strided_slice %dot_general3A_75 {offsets = [384, 0], sizes = [32, 256], strides = [1, 1]} : vector<1024x256xf32> to vector<32x256xf32>
    %slice3A_128 = vector.extract_strided_slice %dot_general3A_75 {offsets = [416, 0], sizes = [32, 256], strides = [1, 1]} : vector<1024x256xf32> to vector<32x256xf32>
    %mul3A_129 = arith.mulf %slice3A_127, %get3A_67 : vector<32x256xf32>
    %mul3A_130 = arith.mulf %slice3A_128, %get3A_70 : vector<32x256xf32>
    %sub3A_131 = arith.subf %mul3A_129, %mul3A_130 : vector<32x256xf32>
    %mul3A_132 = arith.mulf %slice3A_128, %get3A_67 : vector<32x256xf32>
    %mul3A_133 = arith.mulf %slice3A_127, %get3A_70 : vector<32x256xf32>
    %add3A_134 = arith.addf %mul3A_132, %mul3A_133 : vector<32x256xf32>
    %concatenate3A_135 = tpu.concatenate %sub3A_131, %add3A_134 in 0 : vector<32x256xf32>, vector<32x256xf32> -> vector<64x256xf32>
    %slice3A_136 = vector.extract_strided_slice %dot_general3A_75 {offsets = [448, 0], sizes = [32, 256], strides = [1, 1]} : vector<1024x256xf32> to vector<32x256xf32>
    %slice3A_137 = vector.extract_strided_slice %dot_general3A_75 {offsets = [480, 0], sizes = [32, 256], strides = [1, 1]} : vector<1024x256xf32> to vector<32x256xf32>
    %mul3A_138 = arith.mulf %slice3A_136, %get3A_67 : vector<32x256xf32>
    %mul3A_139 = arith.mulf %slice3A_137, %get3A_70 : vector<32x256xf32>
    %sub3A_140 = arith.subf %mul3A_138, %mul3A_139 : vector<32x256xf32>
    %mul3A_141 = arith.mulf %slice3A_137, %get3A_67 : vector<32x256xf32>
    %mul3A_142 = arith.mulf %slice3A_136, %get3A_70 : vector<32x256xf32>
    %add3A_143 = arith.addf %mul3A_141, %mul3A_142 : vector<32x256xf32>
    %concatenate3A_144 = tpu.concatenate %sub3A_140, %add3A_143 in 0 : vector<32x256xf32>, vector<32x256xf32> -> vector<64x256xf32>
    %slice3A_145 = vector.extract_strided_slice %dot_general3A_75 {offsets = [512, 0], sizes = [32, 256], strides = [1, 1]} : vector<1024x256xf32> to vector<32x256xf32>
    %slice3A_146 = vector.extract_strided_slice %dot_general3A_75 {offsets = [544, 0], sizes = [32, 256], strides = [1, 1]} : vector<1024x256xf32> to vector<32x256xf32>
    %mul3A_147 = arith.mulf %slice3A_145, %get3A_67 : vector<32x256xf32>
    %mul3A_148 = arith.mulf %slice3A_146, %get3A_70 : vector<32x256xf32>
    %sub3A_149 = arith.subf %mul3A_147, %mul3A_148 : vector<32x256xf32>
    %mul3A_150 = arith.mulf %slice3A_146, %get3A_67 : vector<32x256xf32>
    %mul3A_151 = arith.mulf %slice3A_145, %get3A_70 : vector<32x256xf32>
    %add3A_152 = arith.addf %mul3A_150, %mul3A_151 : vector<32x256xf32>
    %concatenate3A_153 = tpu.concatenate %sub3A_149, %add3A_152 in 0 : vector<32x256xf32>, vector<32x256xf32> -> vector<64x256xf32>
    %slice3A_154 = vector.extract_strided_slice %dot_general3A_75 {offsets = [576, 0], sizes = [32, 256], strides = [1, 1]} : vector<1024x256xf32> to vector<32x256xf32>
    %slice3A_155 = vector.extract_strided_slice %dot_general3A_75 {offsets = [608, 0], sizes = [32, 256], strides = [1, 1]} : vector<1024x256xf32> to vector<32x256xf32>
    %mul3A_156 = arith.mulf %slice3A_154, %get3A_67 : vector<32x256xf32>
    %mul3A_157 = arith.mulf %slice3A_155, %get3A_70 : vector<32x256xf32>
    %sub3A_158 = arith.subf %mul3A_156, %mul3A_157 : vector<32x256xf32>
    %mul3A_159 = arith.mulf %slice3A_155, %get3A_67 : vector<32x256xf32>
    %mul3A_160 = arith.mulf %slice3A_154, %get3A_70 : vector<32x256xf32>
    %add3A_161 = arith.addf %mul3A_159, %mul3A_160 : vector<32x256xf32>
    %concatenate3A_162 = tpu.concatenate %sub3A_158, %add3A_161 in 0 : vector<32x256xf32>, vector<32x256xf32> -> vector<64x256xf32>
    %slice3A_163 = vector.extract_strided_slice %dot_general3A_75 {offsets = [640, 0], sizes = [32, 256], strides = [1, 1]} : vector<1024x256xf32> to vector<32x256xf32>
    %slice3A_164 = vector.extract_strided_slice %dot_general3A_75 {offsets = [672, 0], sizes = [32, 256], strides = [1, 1]} : vector<1024x256xf32> to vector<32x256xf32>
    %mul3A_165 = arith.mulf %slice3A_163, %get3A_67 : vector<32x256xf32>
    %mul3A_166 = arith.mulf %slice3A_164, %get3A_70 : vector<32x256xf32>
    %sub3A_167 = arith.subf %mul3A_165, %mul3A_166 : vector<32x256xf32>
    %mul3A_168 = arith.mulf %slice3A_164, %get3A_67 : vector<32x256xf32>
    %mul3A_169 = arith.mulf %slice3A_163, %get3A_70 : vector<32x256xf32>
    %add3A_170 = arith.addf %mul3A_168, %mul3A_169 : vector<32x256xf32>
    %concatenate3A_171 = tpu.concatenate %sub3A_167, %add3A_170 in 0 : vector<32x256xf32>, vector<32x256xf32> -> vector<64x256xf32>
    %slice3A_172 = vector.extract_strided_slice %dot_general3A_75 {offsets = [704, 0], sizes = [32, 256], strides = [1, 1]} : vector<1024x256xf32> to vector<32x256xf32>
    %slice3A_173 = vector.extract_strided_slice %dot_general3A_75 {offsets = [736, 0], sizes = [32, 256], strides = [1, 1]} : vector<1024x256xf32> to vector<32x256xf32>
    %mul3A_174 = arith.mulf %slice3A_172, %get3A_67 : vector<32x256xf32>
    %mul3A_175 = arith.mulf %slice3A_173, %get3A_70 : vector<32x256xf32>
    %sub3A_176 = arith.subf %mul3A_174, %mul3A_175 : vector<32x256xf32>
    %mul3A_177 = arith.mulf %slice3A_173, %get3A_67 : vector<32x256xf32>
    %mul3A_178 = arith.mulf %slice3A_172, %get3A_70 : vector<32x256xf32>
    %add3A_179 = arith.addf %mul3A_177, %mul3A_178 : vector<32x256xf32>
    %concatenate3A_180 = tpu.concatenate %sub3A_176, %add3A_179 in 0 : vector<32x256xf32>, vector<32x256xf32> -> vector<64x256xf32>
    %slice3A_181 = vector.extract_strided_slice %dot_general3A_75 {offsets = [768, 0], sizes = [32, 256], strides = [1, 1]} : vector<1024x256xf32> to vector<32x256xf32>
    %slice3A_182 = vector.extract_strided_slice %dot_general3A_75 {offsets = [800, 0], sizes = [32, 256], strides = [1, 1]} : vector<1024x256xf32> to vector<32x256xf32>
    %mul3A_183 = arith.mulf %slice3A_181, %get3A_67 : vector<32x256xf32>
    %mul3A_184 = arith.mulf %slice3A_182, %get3A_70 : vector<32x256xf32>
    %sub3A_185 = arith.subf %mul3A_183, %mul3A_184 : vector<32x256xf32>
    %mul3A_186 = arith.mulf %slice3A_182, %get3A_67 : vector<32x256xf32>
    %mul3A_187 = arith.mulf %slice3A_181, %get3A_70 : vector<32x256xf32>
    %add3A_188 = arith.addf %mul3A_186, %mul3A_187 : vector<32x256xf32>
    %concatenate3A_189 = tpu.concatenate %sub3A_185, %add3A_188 in 0 : vector<32x256xf32>, vector<32x256xf32> -> vector<64x256xf32>
    %slice3A_190 = vector.extract_strided_slice %dot_general3A_75 {offsets = [832, 0], sizes = [32, 256], strides = [1, 1]} : vector<1024x256xf32> to vector<32x256xf32>
    %slice3A_191 = vector.extract_strided_slice %dot_general3A_75 {offsets = [864, 0], sizes = [32, 256], strides = [1, 1]} : vector<1024x256xf32> to vector<32x256xf32>
    %mul3A_192 = arith.mulf %slice3A_190, %get3A_67 : vector<32x256xf32>
    %mul3A_193 = arith.mulf %slice3A_191, %get3A_70 : vector<32x256xf32>
    %sub3A_194 = arith.subf %mul3A_192, %mul3A_193 : vector<32x256xf32>
    %mul3A_195 = arith.mulf %slice3A_191, %get3A_67 : vector<32x256xf32>
    %mul3A_196 = arith.mulf %slice3A_190, %get3A_70 : vector<32x256xf32>
    %add3A_197 = arith.addf %mul3A_195, %mul3A_196 : vector<32x256xf32>
    %concatenate3A_198 = tpu.concatenate %sub3A_194, %add3A_197 in 0 : vector<32x256xf32>, vector<32x256xf32> -> vector<64x256xf32>
    %slice3A_199 = vector.extract_strided_slice %dot_general3A_75 {offsets = [896, 0], sizes = [32, 256], strides = [1, 1]} : vector<1024x256xf32> to vector<32x256xf32>
    %slice3A_200 = vector.extract_strided_slice %dot_general3A_75 {offsets = [928, 0], sizes = [32, 256], strides = [1, 1]} : vector<1024x256xf32> to vector<32x256xf32>
    %mul3A_201 = arith.mulf %slice3A_199, %get3A_67 : vector<32x256xf32>
    %mul3A_202 = arith.mulf %slice3A_200, %get3A_70 : vector<32x256xf32>
    %sub3A_203 = arith.subf %mul3A_201, %mul3A_202 : vector<32x256xf32>
    %mul3A_204 = arith.mulf %slice3A_200, %get3A_67 : vector<32x256xf32>
    %mul3A_205 = arith.mulf %slice3A_199, %get3A_70 : vector<32x256xf32>
    %add3A_206 = arith.addf %mul3A_204, %mul3A_205 : vector<32x256xf32>
    %concatenate3A_207 = tpu.concatenate %sub3A_203, %add3A_206 in 0 : vector<32x256xf32>, vector<32x256xf32> -> vector<64x256xf32>
    %slice3A_208 = vector.extract_strided_slice %dot_general3A_75 {offsets = [960, 0], sizes = [32, 256], strides = [1, 1]} : vector<1024x256xf32> to vector<32x256xf32>
    %slice3A_209 = vector.extract_strided_slice %dot_general3A_75 {offsets = [992, 0], sizes = [32, 256], strides = [1, 1]} : vector<1024x256xf32> to vector<32x256xf32>
    %mul3A_210 = arith.mulf %slice3A_208, %get3A_67 : vector<32x256xf32>
    %mul3A_211 = arith.mulf %slice3A_209, %get3A_70 : vector<32x256xf32>
    %sub3A_212 = arith.subf %mul3A_210, %mul3A_211 : vector<32x256xf32>
    %mul3A_213 = arith.mulf %slice3A_209, %get3A_67 : vector<32x256xf32>
    %mul3A_214 = arith.mulf %slice3A_208, %get3A_70 : vector<32x256xf32>
    %add3A_215 = arith.addf %mul3A_213, %mul3A_214 : vector<32x256xf32>
    %concatenate3A_216 = tpu.concatenate %sub3A_212, %add3A_215 in 0 : vector<32x256xf32>, vector<32x256xf32> -> vector<64x256xf32>
    %concatenate3A_217 = tpu.concatenate %concatenate3A, %concatenate3A_90, %concatenate3A_99, %concatenate3A_108, %concatenate3A_117, %concatenate3A_126, %concatenate3A_135, %concatenate3A_144, %concatenate3A_153, %concatenate3A_162, %concatenate3A_171, %concatenate3A_180, %concatenate3A_189, %concatenate3A_198, %concatenate3A_207, %concatenate3A_216 in 0 : vector<64x256xf32>, vector<64x256xf32>, vector<64x256xf32>, vector<64x256xf32>, vector<64x256xf32>, vector<64x256xf32>, vector<64x256xf32>, vector<64x256xf32>, vector<64x256xf32>, vector<64x256xf32>, vector<64x256xf32>, vector<64x256xf32>, vector<64x256xf32>, vector<64x256xf32>, vector<64x256xf32>, vector<64x256xf32> -> vector<1024x256xf32>
    %convert_element_type3A = arith.truncf %concatenate3A_217 : vector<1024x256xf32> to vector<1024x256xbf16>
    %swap3A_218 = arith.constant 0 : index
    %swap3A_219 = arith.constant 0 : index
    %swap3A_220 = vector.load %arg13[%swap3A_218, %swap3A_219] : memref<1024x256xbf16, #tpu.memory_space<vmem>>, vector<1024x256xbf16>
    tpu.vector_store %arg13[%swap3A_218, %swap3A_219], %convert_element_type3A {strides = array<i32>} : memref<1024x256xbf16, #tpu.memory_space<vmem>>, vector<1024x256xbf16>,
    %get3A_221 = arith.constant 0 : index
    %get3A_222 = arith.constant 0 : index
    %get3A_223 = vector.load %arg5[%get3A_221, %get3A_222] : memref<1024x1024xf32, #tpu.memory_space<vmem>>, vector<1024x1024xf32>
    %dot_general3A_224 = arith.constant dense<0.000000e+00> : vector<1024x256xf32>
    %dot_general3A_225 = tpu.matmul %get3A_223, %mul3A_64, %dot_general3A_224 {dimension_numbers = #tpu.dot_dimension_numbers<[0], [1], [1], [0], [0, 1, 1, 0], [], []>, transpose_lhs_hint = false} : vector<1024x1024xf32>, vector<256x1024xf32>, vector<1024x256xf32> -> vector<1024x256xf32>
    %slice3A_226 = vector.extract_strided_slice %dot_general3A_225 {offsets = [0, 0], sizes = [32, 256], strides = [1, 1]} : vector<1024x256xf32> to vector<32x256xf32>
    %slice3A_227 = vector.extract_strided_slice %dot_general3A_225 {offsets = [32, 0], sizes = [32, 256], strides = [1, 1]} : vector<1024x256xf32> to vector<32x256xf32>
    %mul3A_228 = arith.mulf %slice3A_226, %get3A_67 : vector<32x256xf32>
    %mul3A_229 = arith.mulf %slice3A_227, %get3A_70 : vector<32x256xf32>
    %sub3A_230 = arith.subf %mul3A_228, %mul3A_229 : vector<32x256xf32>
    %mul3A_231 = arith.mulf %slice3A_227, %get3A_67 : vector<32x256xf32>
    %mul3A_232 = arith.mulf %slice3A_226, %get3A_70 : vector<32x256xf32>
    %add3A_233 = arith.addf %mul3A_231, %mul3A_232 : vector<32x256xf32>
    %concatenate3A_234 = tpu.concatenate %sub3A_230, %add3A_233 in 0 : vector<32x256xf32>, vector<32x256xf32> -> vector<64x256xf32>
    %slice3A_235 = vector.extract_strided_slice %dot_general3A_225 {offsets = [64, 0], sizes = [32, 256], strides = [1, 1]} : vector<1024x256xf32> to vector<32x256xf32>
    %slice3A_236 = vector.extract_strided_slice %dot_general3A_225 {offsets = [96, 0], sizes = [32, 256], strides = [1, 1]} : vector<1024x256xf32> to vector<32x256xf32>
    %mul3A_237 = arith.mulf %slice3A_235, %get3A_67 : vector<32x256xf32>
    %mul3A_238 = arith.mulf %slice3A_236, %get3A_70 : vector<32x256xf32>
    %sub3A_239 = arith.subf %mul3A_237, %mul3A_238 : vector<32x256xf32>
    %mul3A_240 = arith.mulf %slice3A_236, %get3A_67 : vector<32x256xf32>
    %mul3A_241 = arith.mulf %slice3A_235, %get3A_70 : vector<32x256xf32>
    %add3A_242 = arith.addf %mul3A_240, %mul3A_241 : vector<32x256xf32>
    %concatenate3A_243 = tpu.concatenate %sub3A_239, %add3A_242 in 0 : vector<32x256xf32>, vector<32x256xf32> -> vector<64x256xf32>
    %slice3A_244 = vector.extract_strided_slice %dot_general3A_225 {offsets = [128, 0], sizes = [32, 256], strides = [1, 1]} : vector<1024x256xf32> to vector<32x256xf32>
    %slice3A_245 = vector.extract_strided_slice %dot_general3A_225 {offsets = [160, 0], sizes = [32, 256], strides = [1, 1]} : vector<1024x256xf32> to vector<32x256xf32>
    %mul3A_246 = arith.mulf %slice3A_244, %get3A_67 : vector<32x256xf32>
    %mul3A_247 = arith.mulf %slice3A_245, %get3A_70 : vector<32x256xf32>
    %sub3A_248 = arith.subf %mul3A_246, %mul3A_247 : vector<32x256xf32>
    %mul3A_249 = arith.mulf %slice3A_245, %get3A_67 : vector<32x256xf32>
    %mul3A_250 = arith.mulf %slice3A_244, %get3A_70 : vector<32x256xf32>
    %add3A_251 = arith.addf %mul3A_249, %mul3A_250 : vector<32x256xf32>
    %concatenate3A_252 = tpu.concatenate %sub3A_248, %add3A_251 in 0 : vector<32x256xf32>, vector<32x256xf32> -> vector<64x256xf32>
    %slice3A_253 = vector.extract_strided_slice %dot_general3A_225 {offsets = [192, 0], sizes = [32, 256], strides = [1, 1]} : vector<1024x256xf32> to vector<32x256xf32>
    %slice3A_254 = vector.extract_strided_slice %dot_general3A_225 {offsets = [224, 0], sizes = [32, 256], strides = [1, 1]} : vector<1024x256xf32> to vector<32x256xf32>
    %mul3A_255 = arith.mulf %slice3A_253, %get3A_67 : vector<32x256xf32>
    %mul3A_256 = arith.mulf %slice3A_254, %get3A_70 : vector<32x256xf32>
    %sub3A_257 = arith.subf %mul3A_255, %mul3A_256 : vector<32x256xf32>
    %mul3A_258 = arith.mulf %slice3A_254, %get3A_67 : vector<32x256xf32>
    %mul3A_259 = arith.mulf %slice3A_253, %get3A_70 : vector<32x256xf32>
    %add3A_260 = arith.addf %mul3A_258, %mul3A_259 : vector<32x256xf32>
    %concatenate3A_261 = tpu.concatenate %sub3A_257, %add3A_260 in 0 : vector<32x256xf32>, vector<32x256xf32> -> vector<64x256xf32>
    %slice3A_262 = vector.extract_strided_slice %dot_general3A_225 {offsets = [256, 0], sizes = [32, 256], strides = [1, 1]} : vector<1024x256xf32> to vector<32x256xf32>
    %slice3A_263 = vector.extract_strided_slice %dot_general3A_225 {offsets = [288, 0], sizes = [32, 256], strides = [1, 1]} : vector<1024x256xf32> to vector<32x256xf32>
    %mul3A_264 = arith.mulf %slice3A_262, %get3A_67 : vector<32x256xf32>
    %mul3A_265 = arith.mulf %slice3A_263, %get3A_70 : vector<32x256xf32>
    %sub3A_266 = arith.subf %mul3A_264, %mul3A_265 : vector<32x256xf32>
    %mul3A_267 = arith.mulf %slice3A_263, %get3A_67 : vector<32x256xf32>
    %mul3A_268 = arith.mulf %slice3A_262, %get3A_70 : vector<32x256xf32>
    %add3A_269 = arith.addf %mul3A_267, %mul3A_268 : vector<32x256xf32>
    %concatenate3A_270 = tpu.concatenate %sub3A_266, %add3A_269 in 0 : vector<32x256xf32>, vector<32x256xf32> -> vector<64x256xf32>
    %slice3A_271 = vector.extract_strided_slice %dot_general3A_225 {offsets = [320, 0], sizes = [32, 256], strides = [1, 1]} : vector<1024x256xf32> to vector<32x256xf32>
    %slice3A_272 = vector.extract_strided_slice %dot_general3A_225 {offsets = [352, 0], sizes = [32, 256], strides = [1, 1]} : vector<1024x256xf32> to vector<32x256xf32>
    %mul3A_273 = arith.mulf %slice3A_271, %get3A_67 : vector<32x256xf32>
    %mul3A_274 = arith.mulf %slice3A_272, %get3A_70 : vector<32x256xf32>
    %sub3A_275 = arith.subf %mul3A_273, %mul3A_274 : vector<32x256xf32>
    %mul3A_276 = arith.mulf %slice3A_272, %get3A_67 : vector<32x256xf32>
    %mul3A_277 = arith.mulf %slice3A_271, %get3A_70 : vector<32x256xf32>
    %add3A_278 = arith.addf %mul3A_276, %mul3A_277 : vector<32x256xf32>
    %concatenate3A_279 = tpu.concatenate %sub3A_275, %add3A_278 in 0 : vector<32x256xf32>, vector<32x256xf32> -> vector<64x256xf32>
    %slice3A_280 = vector.extract_strided_slice %dot_general3A_225 {offsets = [384, 0], sizes = [32, 256], strides = [1, 1]} : vector<1024x256xf32> to vector<32x256xf32>
    %slice3A_281 = vector.extract_strided_slice %dot_general3A_225 {offsets = [416, 0], sizes = [32, 256], strides = [1, 1]} : vector<1024x256xf32> to vector<32x256xf32>
    %mul3A_282 = arith.mulf %slice3A_280, %get3A_67 : vector<32x256xf32>
    %mul3A_283 = arith.mulf %slice3A_281, %get3A_70 : vector<32x256xf32>
    %sub3A_284 = arith.subf %mul3A_282, %mul3A_283 : vector<32x256xf32>
    %mul3A_285 = arith.mulf %slice3A_281, %get3A_67 : vector<32x256xf32>
    %mul3A_286 = arith.mulf %slice3A_280, %get3A_70 : vector<32x256xf32>
    %add3A_287 = arith.addf %mul3A_285, %mul3A_286 : vector<32x256xf32>
    %concatenate3A_288 = tpu.concatenate %sub3A_284, %add3A_287 in 0 : vector<32x256xf32>, vector<32x256xf32> -> vector<64x256xf32>
    %slice3A_289 = vector.extract_strided_slice %dot_general3A_225 {offsets = [448, 0], sizes = [32, 256], strides = [1, 1]} : vector<1024x256xf32> to vector<32x256xf32>
    %slice3A_290 = vector.extract_strided_slice %dot_general3A_225 {offsets = [480, 0], sizes = [32, 256], strides = [1, 1]} : vector<1024x256xf32> to vector<32x256xf32>
    %mul3A_291 = arith.mulf %slice3A_289, %get3A_67 : vector<32x256xf32>
    %mul3A_292 = arith.mulf %slice3A_290, %get3A_70 : vector<32x256xf32>
    %sub3A_293 = arith.subf %mul3A_291, %mul3A_292 : vector<32x256xf32>
    %mul3A_294 = arith.mulf %slice3A_290, %get3A_67 : vector<32x256xf32>
    %mul3A_295 = arith.mulf %slice3A_289, %get3A_70 : vector<32x256xf32>
    %add3A_296 = arith.addf %mul3A_294, %mul3A_295 : vector<32x256xf32>
    %concatenate3A_297 = tpu.concatenate %sub3A_293, %add3A_296 in 0 : vector<32x256xf32>, vector<32x256xf32> -> vector<64x256xf32>
    %slice3A_298 = vector.extract_strided_slice %dot_general3A_225 {offsets = [512, 0], sizes = [32, 256], strides = [1, 1]} : vector<1024x256xf32> to vector<32x256xf32>
    %slice3A_299 = vector.extract_strided_slice %dot_general3A_225 {offsets = [544, 0], sizes = [32, 256], strides = [1, 1]} : vector<1024x256xf32> to vector<32x256xf32>
    %mul3A_300 = arith.mulf %slice3A_298, %get3A_67 : vector<32x256xf32>
    %mul3A_301 = arith.mulf %slice3A_299, %get3A_70 : vector<32x256xf32>
    %sub3A_302 = arith.subf %mul3A_300, %mul3A_301 : vector<32x256xf32>
    %mul3A_303 = arith.mulf %slice3A_299, %get3A_67 : vector<32x256xf32>
    %mul3A_304 = arith.mulf %slice3A_298, %get3A_70 : vector<32x256xf32>
    %add3A_305 = arith.addf %mul3A_303, %mul3A_304 : vector<32x256xf32>
    %concatenate3A_306 = tpu.concatenate %sub3A_302, %add3A_305 in 0 : vector<32x256xf32>, vector<32x256xf32> -> vector<64x256xf32>
    %slice3A_307 = vector.extract_strided_slice %dot_general3A_225 {offsets = [576, 0], sizes = [32, 256], strides = [1, 1]} : vector<1024x256xf32> to vector<32x256xf32>
    %slice3A_308 = vector.extract_strided_slice %dot_general3A_225 {offsets = [608, 0], sizes = [32, 256], strides = [1, 1]} : vector<1024x256xf32> to vector<32x256xf32>
    %mul3A_309 = arith.mulf %slice3A_307, %get3A_67 : vector<32x256xf32>
    %mul3A_310 = arith.mulf %slice3A_308, %get3A_70 : vector<32x256xf32>
    %sub3A_311 = arith.subf %mul3A_309, %mul3A_310 : vector<32x256xf32>
    %mul3A_312 = arith.mulf %slice3A_308, %get3A_67 : vector<32x256xf32>
    %mul3A_313 = arith.mulf %slice3A_307, %get3A_70 : vector<32x256xf32>
    %add3A_314 = arith.addf %mul3A_312, %mul3A_313 : vector<32x256xf32>
    %concatenate3A_315 = tpu.concatenate %sub3A_311, %add3A_314 in 0 : vector<32x256xf32>, vector<32x256xf32> -> vector<64x256xf32>
    %slice3A_316 = vector.extract_strided_slice %dot_general3A_225 {offsets = [640, 0], sizes = [32, 256], strides = [1, 1]} : vector<1024x256xf32> to vector<32x256xf32>
    %slice3A_317 = vector.extract_strided_slice %dot_general3A_225 {offsets = [672, 0], sizes = [32, 256], strides = [1, 1]} : vector<1024x256xf32> to vector<32x256xf32>
    %mul3A_318 = arith.mulf %slice3A_316, %get3A_67 : vector<32x256xf32>
    %mul3A_319 = arith.mulf %slice3A_317, %get3A_70 : vector<32x256xf32>
    %sub3A_320 = arith.subf %mul3A_318, %mul3A_319 : vector<32x256xf32>
    %mul3A_321 = arith.mulf %slice3A_317, %get3A_67 : vector<32x256xf32>
    %mul3A_322 = arith.mulf %slice3A_316, %get3A_70 : vector<32x256xf32>
    %add3A_323 = arith.addf %mul3A_321, %mul3A_322 : vector<32x256xf32>
    %concatenate3A_324 = tpu.concatenate %sub3A_320, %add3A_323 in 0 : vector<32x256xf32>, vector<32x256xf32> -> vector<64x256xf32>
    %slice3A_325 = vector.extract_strided_slice %dot_general3A_225 {offsets = [704, 0], sizes = [32, 256], strides = [1, 1]} : vector<1024x256xf32> to vector<32x256xf32>
    %slice3A_326 = vector.extract_strided_slice %dot_general3A_225 {offsets = [736, 0], sizes = [32, 256], strides = [1, 1]} : vector<1024x256xf32> to vector<32x256xf32>
    %mul3A_327 = arith.mulf %slice3A_325, %get3A_67 : vector<32x256xf32>
    %mul3A_328 = arith.mulf %slice3A_326, %get3A_70 : vector<32x256xf32>
    %sub3A_329 = arith.subf %mul3A_327, %mul3A_328 : vector<32x256xf32>
    %mul3A_330 = arith.mulf %slice3A_326, %get3A_67 : vector<32x256xf32>
    %mul3A_331 = arith.mulf %slice3A_325, %get3A_70 : vector<32x256xf32>
    %add3A_332 = arith.addf %mul3A_330, %mul3A_331 : vector<32x256xf32>
    %concatenate3A_333 = tpu.concatenate %sub3A_329, %add3A_332 in 0 : vector<32x256xf32>, vector<32x256xf32> -> vector<64x256xf32>
    %slice3A_334 = vector.extract_strided_slice %dot_general3A_225 {offsets = [768, 0], sizes = [32, 256], strides = [1, 1]} : vector<1024x256xf32> to vector<32x256xf32>
    %slice3A_335 = vector.extract_strided_slice %dot_general3A_225 {offsets = [800, 0], sizes = [32, 256], strides = [1, 1]} : vector<1024x256xf32> to vector<32x256xf32>
    %mul3A_336 = arith.mulf %slice3A_334, %get3A_67 : vector<32x256xf32>
    %mul3A_337 = arith.mulf %slice3A_335, %get3A_70 : vector<32x256xf32>
    %sub3A_338 = arith.subf %mul3A_336, %mul3A_337 : vector<32x256xf32>
    %mul3A_339 = arith.mulf %slice3A_335, %get3A_67 : vector<32x256xf32>
    %mul3A_340 = arith.mulf %slice3A_334, %get3A_70 : vector<32x256xf32>
    %add3A_341 = arith.addf %mul3A_339, %mul3A_340 : vector<32x256xf32>
    %concatenate3A_342 = tpu.concatenate %sub3A_338, %add3A_341 in 0 : vector<32x256xf32>, vector<32x256xf32> -> vector<64x256xf32>
    %slice3A_343 = vector.extract_strided_slice %dot_general3A_225 {offsets = [832, 0], sizes = [32, 256], strides = [1, 1]} : vector<1024x256xf32> to vector<32x256xf32>
    %slice3A_344 = vector.extract_strided_slice %dot_general3A_225 {offsets = [864, 0], sizes = [32, 256], strides = [1, 1]} : vector<1024x256xf32> to vector<32x256xf32>
    %mul3A_345 = arith.mulf %slice3A_343, %get3A_67 : vector<32x256xf32>
    %mul3A_346 = arith.mulf %slice3A_344, %get3A_70 : vector<32x256xf32>
    %sub3A_347 = arith.subf %mul3A_345, %mul3A_346 : vector<32x256xf32>
    %mul3A_348 = arith.mulf %slice3A_344, %get3A_67 : vector<32x256xf32>
    %mul3A_349 = arith.mulf %slice3A_343, %get3A_70 : vector<32x256xf32>
    %add3A_350 = arith.addf %mul3A_348, %mul3A_349 : vector<32x256xf32>
    %concatenate3A_351 = tpu.concatenate %sub3A_347, %add3A_350 in 0 : vector<32x256xf32>, vector<32x256xf32> -> vector<64x256xf32>
    %slice3A_352 = vector.extract_strided_slice %dot_general3A_225 {offsets = [896, 0], sizes = [32, 256], strides = [1, 1]} : vector<1024x256xf32> to vector<32x256xf32>
    %slice3A_353 = vector.extract_strided_slice %dot_general3A_225 {offsets = [928, 0], sizes = [32, 256], strides = [1, 1]} : vector<1024x256xf32> to vector<32x256xf32>
    %mul3A_354 = arith.mulf %slice3A_352, %get3A_67 : vector<32x256xf32>
    %mul3A_355 = arith.mulf %slice3A_353, %get3A_70 : vector<32x256xf32>
    %sub3A_356 = arith.subf %mul3A_354, %mul3A_355 : vector<32x256xf32>
    %mul3A_357 = arith.mulf %slice3A_353, %get3A_67 : vector<32x256xf32>
    %mul3A_358 = arith.mulf %slice3A_352, %get3A_70 : vector<32x256xf32>
    %add3A_359 = arith.addf %mul3A_357, %mul3A_358 : vector<32x256xf32>
    %concatenate3A_360 = tpu.concatenate %sub3A_356, %add3A_359 in 0 : vector<32x256xf32>, vector<32x256xf32> -> vector<64x256xf32>
    %slice3A_361 = vector.extract_strided_slice %dot_general3A_225 {offsets = [960, 0], sizes = [32, 256], strides = [1, 1]} : vector<1024x256xf32> to vector<32x256xf32>
    %slice3A_362 = vector.extract_strided_slice %dot_general3A_225 {offsets = [992, 0], sizes = [32, 256], strides = [1, 1]} : vector<1024x256xf32> to vector<32x256xf32>
    %mul3A_363 = arith.mulf %slice3A_361, %get3A_67 : vector<32x256xf32>
    %mul3A_364 = arith.mulf %slice3A_362, %get3A_70 : vector<32x256xf32>
    %sub3A_365 = arith.subf %mul3A_363, %mul3A_364 : vector<32x256xf32>
    %mul3A_366 = arith.mulf %slice3A_362, %get3A_67 : vector<32x256xf32>
    %mul3A_367 = arith.mulf %slice3A_361, %get3A_70 : vector<32x256xf32>
    %add3A_368 = arith.addf %mul3A_366, %mul3A_367 : vector<32x256xf32>
    %concatenate3A_369 = tpu.concatenate %sub3A_365, %add3A_368 in 0 : vector<32x256xf32>, vector<32x256xf32> -> vector<64x256xf32>
    %concatenate3A_370 = tpu.concatenate %concatenate3A_234, %concatenate3A_243, %concatenate3A_252, %concatenate3A_261, %concatenate3A_270, %concatenate3A_279, %concatenate3A_288, %concatenate3A_297, %concatenate3A_306, %concatenate3A_315, %concatenate3A_324, %concatenate3A_333, %concatenate3A_342, %concatenate3A_351, %concatenate3A_360, %concatenate3A_369 in 0 : vector<64x256xf32>, vector<64x256xf32>, vector<64x256xf32>, vector<64x256xf32>, vector<64x256xf32>, vector<64x256xf32>, vector<64x256xf32>, vector<64x256xf32>, vector<64x256xf32>, vector<64x256xf32>, vector<64x256xf32>, vector<64x256xf32>, vector<64x256xf32>, vector<64x256xf32>, vector<64x256xf32>, vector<64x256xf32> -> vector<1024x256xf32>
    %convert_element_type3A_371 = arith.truncf %concatenate3A_370 : vector<1024x256xf32> to vector<1024x256xbf16>
    %swap3A_372 = arith.constant 0 : index
    %swap3A_373 = arith.constant 0 : index
    %swap3A_374 = vector.load %arg14[%swap3A_372, %swap3A_373] : memref<1024x256xbf16, #tpu.memory_space<vmem>>, vector<1024x256xbf16>
    tpu.vector_store %arg14[%swap3A_372, %swap3A_373], %convert_element_type3A_371 {strides = array<i32>} : memref<1024x256xbf16, #tpu.memory_space<vmem>>, vector<1024x256xbf16>,
    %get3A_375 = arith.constant 0 : index
    %get3A_376 = arith.constant 0 : index
    %get3A_377 = vector.load %arg6[%get3A_375, %get3A_376] : memref<1024x1024xf32, #tpu.memory_space<vmem>>, vector<1024x1024xf32>
    %dot_general3A_378 = arith.constant dense<0.000000e+00> : vector<1024x256xf32>
    %dot_general3A_379 = tpu.matmul %get3A_377, %mul3A_64, %dot_general3A_378 {dimension_numbers = #tpu.dot_dimension_numbers<[0], [1], [1], [0], [0, 1, 1, 0], [], []>, transpose_lhs_hint = false} : vector<1024x1024xf32>, vector<256x1024xf32>, vector<1024x256xf32> -> vector<1024x256xf32>
    %convert_element_type3A_380 = arith.truncf %dot_general3A_379 : vector<1024x256xf32> to vector<1024x256xbf16>
    %swap3A_381 = arith.constant 0 : index
    %swap3A_382 = arith.constant 0 : index
    %swap3A_383 = vector.load %arg15[%swap3A_381, %swap3A_382] : memref<1024x256xbf16, #tpu.memory_space<vmem>>, vector<1024x256xbf16>
    tpu.vector_store %arg15[%swap3A_381, %swap3A_382], %convert_element_type3A_380 {strides = array<i32>} : memref<1024x256xbf16, #tpu.memory_space<vmem>>, vector<1024x256xbf16>,
    return
  }
  func.func @transform_0(%arg0: i32) -> (i32, i32) {
    %c0_i32 = arith.constant 0 : i32
    %c0_i32_0 = arith.constant 0 : i32
    return %arg0, %c0_i32 : i32, i32
  }
  func.func @transform_1(%arg0: i32) -> (i32, i32) {
    %c0_i32 = arith.constant 0 : i32
    %c0_i32_0 = arith.constant 0 : i32
    return %arg0, %c0_i32 : i32, i32
  }
  func.func @transform_2(%arg0: i32) -> (i32, i32) {
    %c0_i32 = arith.constant 0 : i32
    %c0_i32_0 = arith.constant 0 : i32
    %c0_i32_1 = arith.constant 0 : i32
    return %c0_i32, %c0_i32_0 : i32, i32
  }
  func.func @transform_3(%arg0: i32) -> (i32, i32) {
    %c0_i32 = arith.constant 0 : i32
    %c0_i32_0 = arith.constant 0 : i32
    %c0_i32_1 = arith.constant 0 : i32
    return %c0_i32, %c0_i32_0 : i32, i32
  }
  func.func @transform_4(%arg0: i32) -> (i32, i32) {
    %c0_i32 = arith.constant 0 : i32
    %c0_i32_0 = arith.constant 0 : i32
    %c0_i32_1 = arith.constant 0 : i32
    return %c0_i32, %c0_i32_0 : i32, i32
  }
  func.func @transform_5(%arg0: i32) -> (i32, i32) {
    %c0_i32 = arith.constant 0 : i32
    %c0_i32_0 = arith.constant 0 : i32
    %c0_i32_1 = arith.constant 0 : i32
    return %c0_i32, %c0_i32_0 : i32, i32
  }
  func.func @transform_6(%arg0: i32) -> (i32, i32) {
    %c0_i32 = arith.constant 0 : i32
    %c0_i32_0 = arith.constant 0 : i32
    return %c0_i32, %arg0 : i32, i32
  }
  func.func @transform_7(%arg0: i32) -> (i32, i32) {
    %c0_i32 = arith.constant 0 : i32
    %c0_i32_0 = arith.constant 0 : i32
    return %c0_i32, %arg0 : i32, i32
  }
  func.func @transform_8(%arg0: i32) -> (i32, i32) {
    %c0_i32 = arith.constant 0 : i32
    %c0_i32_0 = arith.constant 0 : i32
    %c0_i32_1 = arith.constant 0 : i32
    return %c0_i32, %c0_i32_0 : i32, i32
  }
  func.func @transform_9(%arg0: i32) -> (i32, i32) {
    %c0_i32 = arith.constant 0 : i32
    %c0_i32_0 = arith.constant 0 : i32
    %c0_i32_1 = arith.constant 0 : i32
    return %c0_i32, %c0_i32_0 : i32, i32
  }
  func.func @transform_10(%arg0: i32) -> (i32, i32) {
    %c0_i32 = arith.constant 0 : i32
    %c0_i32_0 = arith.constant 0 : i32
    %c0_i32_1 = arith.constant 0 : i32
    return %c0_i32, %c0_i32_0 : i32, i32
  }
  func.func @transform_11(%arg0: i32) -> (i32, i32) {
    %c0_i32 = arith.constant 0 : i32
    %c0_i32_0 = arith.constant 0 : i32
    return %arg0, %c0_i32 : i32, i32
  }
  func.func @transform_12(%arg0: i32) -> (i32, i32) {
    %c0_i32 = arith.constant 0 : i32
    %c0_i32_0 = arith.constant 0 : i32
    return %c0_i32, %arg0 : i32, i32
  }
  func.func @transform_13(%arg0: i32) -> (i32, i32) {
    %c0_i32 = arith.constant 0 : i32
    %c0_i32_0 = arith.constant 0 : i32
    return %c0_i32, %arg0 : i32, i32
  }
  func.func @transform_14(%arg0: i32) -> (i32, i32) {
    %c0_i32 = arith.constant 0 : i32
    %c0_i32_0 = arith.constant 0 : i32
    return %c0_i32, %arg0 : i32, i32
  }
}

module attributes {stable_mosaic.version = 14 : i64} {
  func.func @_attn_post_body(%arg0: i32, %arg1: i32, %arg2: memref<1x128x512xbf16, #tpu.memory_space<vmem>>, %arg3: memref<8x128x2048xbf16, #tpu.memory_space<vmem>>, %arg4: memref<8x128x2048xbf16, #tpu.memory_space<vmem>>, %arg5: memref<512x1024xf32, #tpu.memory_space<vmem>>, %arg6: memref<1024x1024xf32, #tpu.memory_space<vmem>>, %arg7: memref<1x1024xf32, #tpu.memory_space<vmem>>, %arg8: memref<1024x8xf32, #tpu.memory_space<vmem>>, %arg9: memref<8x1024x256xbf16, #tpu.memory_space<vmem>>, %arg10: memref<8x1024x256xbf16, #tpu.memory_space<vmem>>, %arg11: memref<8x256x1024xbf16, #tpu.memory_space<vmem>>, %arg12: memref<1x1024xf32, #tpu.memory_space<vmem>>, %arg13: memref<512x1024xf32, #tpu.memory_space<vmem>>, %arg14: memref<8x128x512xf32, #tpu.memory_space<vmem>>) attributes {dimension_semantics = [#tpu.dimension_semantics<arbitrary>, #tpu.dimension_semantics<arbitrary>], iteration_bounds = array<i64: 4, 8>, scalar_prefetch = 0 : i64, scratch_operands = 1 : i64, tpu.core_type = #tpu.core_type<tc>, window_params = [{transform_indices = @transform_0, window_bounds = array<i64: 1, 128, 512>}, {pipeline_mode = #tpu.pipeline_mode<synchronous>, transform_indices = @transform_1, window_bounds = array<i64: 8, 128, 2048>}, {pipeline_mode = #tpu.pipeline_mode<synchronous>, transform_indices = @transform_2, window_bounds = array<i64: 8, 128, 2048>}, {transform_indices = @transform_3, window_bounds = array<i64: 512, 1024>}, {pipeline_mode = #tpu.pipeline_mode<synchronous>, transform_indices = @transform_4, window_bounds = array<i64: 1024, 1024>}, {pipeline_mode = #tpu.pipeline_mode<synchronous>, transform_indices = @transform_5, window_bounds = array<i64: 1, 1024>}, {pipeline_mode = #tpu.pipeline_mode<synchronous>, transform_indices = @transform_6, window_bounds = array<i64: 1024, 8>}, {pipeline_mode = #tpu.pipeline_mode<synchronous>, transform_indices = @transform_7, window_bounds = array<i64: 8, 1024, 256>}, {pipeline_mode = #tpu.pipeline_mode<synchronous>, transform_indices = @transform_8, window_bounds = array<i64: 8, 1024, 256>}, {pipeline_mode = #tpu.pipeline_mode<synchronous>, transform_indices = @transform_9, window_bounds = array<i64: 8, 256, 1024>}, {pipeline_mode = #tpu.pipeline_mode<synchronous>, transform_indices = @transform_10, window_bounds = array<i64: 1, 1024>}, {transform_indices = @transform_11, window_bounds = array<i64: 512, 1024>}]} {
    %iota3A = tpu.iota {dimensions = array<i32: 0>} : vector<512x512xi32>
    %iota3A_0 = tpu.iota {dimensions = array<i32: 1>} : vector<512x512xi32>
    %le3A = arith.cmpi sle, %iota3A, %iota3A_0 : vector<512x512xi32>
    %get3A = arith.constant 0 : index
    %get3A_1 = arith.constant 0 : index
    %get3A_2 = arith.constant 0 : index
    %get3A_3 = vector.load %arg2[%get3A, %get3A_1, %get3A_2] : memref<1x128x512xbf16, #tpu.memory_space<vmem>>, vector<1x64x512xbf16>
    %get3A_4 = vector.shape_cast %get3A_3 : vector<1x64x512xbf16> to vector<64x512xbf16>
    %broadcast_in_dim3A = arith.constant 1.000000e+00 : bf16
    %broadcast_in_dim3A_5 = vector.broadcast %broadcast_in_dim3A : bf16 to vector<8x512xbf16>
    %broadcast_in_dim3A_6 = arith.constant -1.000000e+30 : f32
    %broadcast_in_dim3A_7 = vector.broadcast %broadcast_in_dim3A_6 : f32 to vector<1x512xf32>
    %broadcast_in_dim3A_8 = arith.constant 0.000000e+00 : f32
    %broadcast_in_dim3A_9 = vector.broadcast %broadcast_in_dim3A_8 : f32 to vector<72x512xf32>
    %while3A = arith.constant 0 : i32
    %while3A_10 = arith.subi %arg0, %while3A : i32
    %while3A_11 = arith.addi %while3A, %while3A_10 : i32
    %while3A_12 = arith.constant 1 : i32
    %while3A_13 = arith.divsi %while3A_10, %while3A_12 : i32
    %while3A_14 = arith.muli %while3A_13, %while3A_12 : i32
    %while3A_15 = arith.addi %while3A, %while3A_14 : i32
    %while3A_16 = arith.constant 1 : i32
    %while3A_17:2 = scf.for %while3A_122 = %while3A to %while3A_15 step %while3A_16 iter_args(%while3A_123 = %broadcast_in_dim3A_7, %while3A_124 = %broadcast_in_dim3A_9) -> (vector<1x512xf32>, vector<72x512xf32>)  : i32 {
      %mul3A_125 = arith.constant 512 : i32
      %mul3A_126 = arith.muli %while3A_122, %mul3A_125 : i32
      %get3A_127 = arith.index_cast %arg1 : i32 to index
      %get3A_128 = arith.constant 0 : index
      %get3A_129 = arith.index_cast %mul3A_126 : i32 to index
      %get3A_130 = vector.load %arg3[%get3A_127, %get3A_128, %get3A_129] : memref<8x128x2048xbf16, #tpu.memory_space<vmem>>, vector<1x64x512xbf16>
      %get3A_131 = vector.shape_cast %get3A_130 : vector<1x64x512xbf16> to vector<64x512xbf16>
      %mul3A_132 = arith.constant 512 : i32
      %mul3A_133 = arith.muli %while3A_122, %mul3A_132 : i32
      %get3A_134 = arith.index_cast %arg1 : i32 to index
      %get3A_135 = arith.constant 0 : index
      %get3A_136 = arith.index_cast %mul3A_133 : i32 to index
      %get3A_137 = vector.load %arg4[%get3A_134, %get3A_135, %get3A_136] : memref<8x128x2048xbf16, #tpu.memory_space<vmem>>, vector<1x64x512xbf16>
      %get3A_138 = vector.shape_cast %get3A_137 : vector<1x64x512xbf16> to vector<64x512xbf16>
      %concatenate3A_139 = tpu.concatenate %get3A_138, %broadcast_in_dim3A_5 in 0 : vector<64x512xbf16>, vector<8x512xbf16> -> vector<72x512xbf16>
      %dot_general3A_140 = arith.constant dense<0.000000e+00> : vector<512x512xf32>
      %dot_general3A_141 = tpu.matmul %get3A_131, %get3A_4, %dot_general3A_140 {dimension_numbers = #tpu.dot_dimension_numbers<[0], [0], [1], [1], [0, 1, 1, 1], [], []>, transpose_lhs_hint = false} : vector<64x512xbf16>, vector<64x512xbf16>, vector<512x512xf32> -> vector<512x512xf32>
      %mul3A_142 = arith.constant 1.250000e-01 : f32
      %mul3A_143 = vector.broadcast %mul3A_142 : f32 to vector<512x512xf32>
      %mul3A_144 = arith.mulf %dot_general3A_141, %mul3A_143 : vector<512x512xf32>
      %reduce_max3A_145 = arith.constant dense<0xFF800000> : vector<512xf32>
      %reduce_max3A_146 = vector.multi_reduction <maximumf>, %mul3A_144, %reduce_max3A_145 [0] : vector<512x512xf32> to vector<512xf32>
      %broadcast_in_dim3A_147 = vector.shape_cast %reduce_max3A_146 : vector<512xf32> to vector<1x512xf32>
      %max3A_148 = arith.maximumf %while3A_123, %broadcast_in_dim3A_147 : vector<1x512xf32>
      %sub3A_149 = arith.subf %while3A_123, %max3A_148 : vector<1x512xf32>
      %exp3A_150 = math.exp %sub3A_149 : vector<1x512xf32>
      %sub3A_151 = vector.broadcast %max3A_148 : vector<1x512xf32> to vector<512x512xf32>
      %sub3A_152 = arith.subf %mul3A_144, %sub3A_151 : vector<512x512xf32>
      %exp3A_153 = math.exp %sub3A_152 : vector<512x512xf32>
      %mul3A_154 = vector.broadcast %exp3A_150 : vector<1x512xf32> to vector<72x512xf32>
      %mul3A_155 = arith.mulf %while3A_124, %mul3A_154 : vector<72x512xf32>
      %convert_element_type3A_156 = arith.truncf %exp3A_153 : vector<512x512xf32> to vector<512x512xbf16>
      %dot_general3A_157 = arith.constant dense<0.000000e+00> : vector<72x512xf32>
      %dot_general3A_158 = tpu.matmul %concatenate3A_139, %convert_element_type3A_156, %dot_general3A_157 {dimension_numbers = #tpu.dot_dimension_numbers<[1], [0], [0], [1], [0, 0, 1, 1], [], []>, transpose_lhs_hint = false} : vector<72x512xbf16>, vector<512x512xbf16>, vector<72x512xf32> -> vector<72x512xf32>
      %add3A_159 = arith.addf %mul3A_155, %dot_general3A_158 : vector<72x512xf32>
      scf.yield %max3A_148, %add3A_159 : vector<1x512xf32>, vector<72x512xf32>
    }
    %while3A_18 = arith.constant 1 : i32
    %while3A_19:2 = scf.for %while3A_122 = %while3A_15 to %while3A_11 step %while3A_18 iter_args(%while3A_123 = %while3A_17#0, %while3A_124 = %while3A_17#1) -> (vector<1x512xf32>, vector<72x512xf32>)  : i32 {
      %mul3A_125 = arith.constant 512 : i32
      %mul3A_126 = arith.muli %while3A_122, %mul3A_125 : i32
      %get3A_127 = arith.index_cast %arg1 : i32 to index
      %get3A_128 = arith.constant 0 : index
      %get3A_129 = arith.index_cast %mul3A_126 : i32 to index
      %get3A_130 = vector.load %arg3[%get3A_127, %get3A_128, %get3A_129] : memref<8x128x2048xbf16, #tpu.memory_space<vmem>>, vector<1x64x512xbf16>
      %get3A_131 = vector.shape_cast %get3A_130 : vector<1x64x512xbf16> to vector<64x512xbf16>
      %mul3A_132 = arith.constant 512 : i32
      %mul3A_133 = arith.muli %while3A_122, %mul3A_132 : i32
      %get3A_134 = arith.index_cast %arg1 : i32 to index
      %get3A_135 = arith.constant 0 : index
      %get3A_136 = arith.index_cast %mul3A_133 : i32 to index
      %get3A_137 = vector.load %arg4[%get3A_134, %get3A_135, %get3A_136] : memref<8x128x2048xbf16, #tpu.memory_space<vmem>>, vector<1x64x512xbf16>
      %get3A_138 = vector.shape_cast %get3A_137 : vector<1x64x512xbf16> to vector<64x512xbf16>
      %concatenate3A_139 = tpu.concatenate %get3A_138, %broadcast_in_dim3A_5 in 0 : vector<64x512xbf16>, vector<8x512xbf16> -> vector<72x512xbf16>
      %dot_general3A_140 = arith.constant dense<0.000000e+00> : vector<512x512xf32>
      %dot_general3A_141 = tpu.matmul %get3A_131, %get3A_4, %dot_general3A_140 {dimension_numbers = #tpu.dot_dimension_numbers<[0], [0], [1], [1], [0, 1, 1, 1], [], []>, transpose_lhs_hint = false} : vector<64x512xbf16>, vector<64x512xbf16>, vector<512x512xf32> -> vector<512x512xf32>
      %mul3A_142 = arith.constant 1.250000e-01 : f32
      %mul3A_143 = vector.broadcast %mul3A_142 : f32 to vector<512x512xf32>
      %mul3A_144 = arith.mulf %dot_general3A_141, %mul3A_143 : vector<512x512xf32>
      %reduce_max3A_145 = arith.constant dense<0xFF800000> : vector<512xf32>
      %reduce_max3A_146 = vector.multi_reduction <maximumf>, %mul3A_144, %reduce_max3A_145 [0] : vector<512x512xf32> to vector<512xf32>
      %broadcast_in_dim3A_147 = vector.shape_cast %reduce_max3A_146 : vector<512xf32> to vector<1x512xf32>
      %max3A_148 = arith.maximumf %while3A_123, %broadcast_in_dim3A_147 : vector<1x512xf32>
      %sub3A_149 = arith.subf %while3A_123, %max3A_148 : vector<1x512xf32>
      %exp3A_150 = math.exp %sub3A_149 : vector<1x512xf32>
      %sub3A_151 = vector.broadcast %max3A_148 : vector<1x512xf32> to vector<512x512xf32>
      %sub3A_152 = arith.subf %mul3A_144, %sub3A_151 : vector<512x512xf32>
      %exp3A_153 = math.exp %sub3A_152 : vector<512x512xf32>
      %mul3A_154 = vector.broadcast %exp3A_150 : vector<1x512xf32> to vector<72x512xf32>
      %mul3A_155 = arith.mulf %while3A_124, %mul3A_154 : vector<72x512xf32>
      %convert_element_type3A_156 = arith.truncf %exp3A_153 : vector<512x512xf32> to vector<512x512xbf16>
      %dot_general3A_157 = arith.constant dense<0.000000e+00> : vector<72x512xf32>
      %dot_general3A_158 = tpu.matmul %concatenate3A_139, %convert_element_type3A_156, %dot_general3A_157 {dimension_numbers = #tpu.dot_dimension_numbers<[1], [0], [0], [1], [0, 0, 1, 1], [], []>, transpose_lhs_hint = false} : vector<72x512xbf16>, vector<512x512xbf16>, vector<72x512xf32> -> vector<72x512xf32>
      %add3A_159 = arith.addf %mul3A_155, %dot_general3A_158 : vector<72x512xf32>
      scf.yield %max3A_148, %add3A_159 : vector<1x512xf32>, vector<72x512xf32>
    }
    %mul3A = arith.constant 512 : i32
    %mul3A_20 = arith.muli %arg0, %mul3A : i32
    %get3A_21 = arith.index_cast %arg1 : i32 to index
    %get3A_22 = arith.constant 0 : index
    %get3A_23 = arith.index_cast %mul3A_20 : i32 to index
    %get3A_24 = vector.load %arg3[%get3A_21, %get3A_22, %get3A_23] : memref<8x128x2048xbf16, #tpu.memory_space<vmem>>, vector<1x64x512xbf16>
    %get3A_25 = vector.shape_cast %get3A_24 : vector<1x64x512xbf16> to vector<64x512xbf16>
    %mul3A_26 = arith.constant 512 : i32
    %mul3A_27 = arith.muli %arg0, %mul3A_26 : i32
    %get3A_28 = arith.index_cast %arg1 : i32 to index
    %get3A_29 = arith.constant 0 : index
    %get3A_30 = arith.index_cast %mul3A_27 : i32 to index
    %get3A_31 = vector.load %arg4[%get3A_28, %get3A_29, %get3A_30] : memref<8x128x2048xbf16, #tpu.memory_space<vmem>>, vector<1x64x512xbf16>
    %get3A_32 = vector.shape_cast %get3A_31 : vector<1x64x512xbf16> to vector<64x512xbf16>
    %concatenate3A = tpu.concatenate %get3A_32, %broadcast_in_dim3A_5 in 0 : vector<64x512xbf16>, vector<8x512xbf16> -> vector<72x512xbf16>
    %dot_general3A = arith.constant dense<0.000000e+00> : vector<512x512xf32>
    %dot_general3A_33 = tpu.matmul %get3A_25, %get3A_4, %dot_general3A {dimension_numbers = #tpu.dot_dimension_numbers<[0], [0], [1], [1], [0, 1, 1, 1], [], []>, transpose_lhs_hint = false} : vector<64x512xbf16>, vector<64x512xbf16>, vector<512x512xf32> -> vector<512x512xf32>
    %mul3A_34 = arith.constant 1.250000e-01 : f32
    %mul3A_35 = vector.broadcast %mul3A_34 : f32 to vector<512x512xf32>
    %mul3A_36 = arith.mulf %dot_general3A_33, %mul3A_35 : vector<512x512xf32>
    %jit3A = arith.constant -1.000000e+30 : f32
    %broadcast_in_dim3A_37 = vector.broadcast %jit3A : f32 to vector<512x512xf32>
    %select_n3A = arith.select %le3A, %mul3A_36, %broadcast_in_dim3A_37 : vector<512x512xi1>, vector<512x512xf32>
    %reduce_max3A = arith.constant dense<0xFF800000> : vector<512xf32>
    %reduce_max3A_38 = vector.multi_reduction <maximumf>, %select_n3A, %reduce_max3A [0] : vector<512x512xf32> to vector<512xf32>
    %broadcast_in_dim3A_39 = vector.shape_cast %reduce_max3A_38 : vector<512xf32> to vector<1x512xf32>
    %max3A = arith.maximumf %while3A_19#0, %broadcast_in_dim3A_39 : vector<1x512xf32>
    %sub3A = arith.subf %while3A_19#0, %max3A : vector<1x512xf32>
    %exp3A = math.exp %sub3A : vector<1x512xf32>
    %sub3A_40 = vector.broadcast %max3A : vector<1x512xf32> to vector<512x512xf32>
    %sub3A_41 = arith.subf %select_n3A, %sub3A_40 : vector<512x512xf32>
    %exp3A_42 = math.exp %sub3A_41 : vector<512x512xf32>
    %mul3A_43 = vector.broadcast %exp3A : vector<1x512xf32> to vector<72x512xf32>
    %mul3A_44 = arith.mulf %while3A_19#1, %mul3A_43 : vector<72x512xf32>
    %convert_element_type3A = arith.truncf %exp3A_42 : vector<512x512xf32> to vector<512x512xbf16>
    %dot_general3A_45 = arith.constant dense<0.000000e+00> : vector<72x512xf32>
    %dot_general3A_46 = tpu.matmul %concatenate3A, %convert_element_type3A, %dot_general3A_45 {dimension_numbers = #tpu.dot_dimension_numbers<[1], [0], [0], [1], [0, 0, 1, 1], [], []>, transpose_lhs_hint = false} : vector<72x512xbf16>, vector<512x512xbf16>, vector<72x512xf32> -> vector<72x512xf32>
    %add3A = arith.addf %mul3A_44, %dot_general3A_46 : vector<72x512xf32>
    %slice3A = vector.extract_strided_slice %add3A {offsets = [0, 0], sizes = [64, 512], strides = [1, 1]} : vector<72x512xf32> to vector<64x512xf32>
    %slice3A_47 = vector.extract_strided_slice %add3A {offsets = [64, 0], sizes = [1, 512], strides = [1, 1]} : vector<72x512xf32> to vector<1x512xf32>
    %div3A = vector.broadcast %slice3A_47 : vector<1x512xf32> to vector<64x512xf32>
    %div3A_48 = arith.divf %slice3A, %div3A : vector<64x512xf32>
    %get3A_49 = arith.constant 0 : index
    %get3A_50 = arith.constant 64 : index
    %get3A_51 = arith.constant 0 : index
    %get3A_52 = vector.load %arg2[%get3A_49, %get3A_50, %get3A_51] : memref<1x128x512xbf16, #tpu.memory_space<vmem>>, vector<1x64x512xbf16>
    %get3A_53 = vector.shape_cast %get3A_52 : vector<1x64x512xbf16> to vector<64x512xbf16>
    %broadcast_in_dim3A_54 = arith.constant 1.000000e+00 : bf16
    %broadcast_in_dim3A_55 = vector.broadcast %broadcast_in_dim3A_54 : bf16 to vector<8x512xbf16>
    %broadcast_in_dim3A_56 = arith.constant -1.000000e+30 : f32
    %broadcast_in_dim3A_57 = vector.broadcast %broadcast_in_dim3A_56 : f32 to vector<1x512xf32>
    %broadcast_in_dim3A_58 = arith.constant 0.000000e+00 : f32
    %broadcast_in_dim3A_59 = vector.broadcast %broadcast_in_dim3A_58 : f32 to vector<72x512xf32>
    %while3A_60 = arith.constant 0 : i32
    %while3A_61 = arith.subi %arg0, %while3A_60 : i32
    %while3A_62 = arith.addi %while3A_60, %while3A_61 : i32
    %while3A_63 = arith.constant 1 : i32
    %while3A_64 = arith.divsi %while3A_61, %while3A_63 : i32
    %while3A_65 = arith.muli %while3A_64, %while3A_63 : i32
    %while3A_66 = arith.addi %while3A_60, %while3A_65 : i32
    %while3A_67 = arith.constant 1 : i32
    %while3A_68:2 = scf.for %while3A_122 = %while3A_60 to %while3A_66 step %while3A_67 iter_args(%while3A_123 = %broadcast_in_dim3A_57, %while3A_124 = %broadcast_in_dim3A_59) -> (vector<1x512xf32>, vector<72x512xf32>)  : i32 {
      %mul3A_125 = arith.constant 512 : i32
      %mul3A_126 = arith.muli %while3A_122, %mul3A_125 : i32
      %get3A_127 = arith.index_cast %arg1 : i32 to index
      %get3A_128 = arith.constant 64 : index
      %get3A_129 = arith.index_cast %mul3A_126 : i32 to index
      %get3A_130 = vector.load %arg3[%get3A_127, %get3A_128, %get3A_129] : memref<8x128x2048xbf16, #tpu.memory_space<vmem>>, vector<1x64x512xbf16>
      %get3A_131 = vector.shape_cast %get3A_130 : vector<1x64x512xbf16> to vector<64x512xbf16>
      %mul3A_132 = arith.constant 512 : i32
      %mul3A_133 = arith.muli %while3A_122, %mul3A_132 : i32
      %get3A_134 = arith.index_cast %arg1 : i32 to index
      %get3A_135 = arith.constant 64 : index
      %get3A_136 = arith.index_cast %mul3A_133 : i32 to index
      %get3A_137 = vector.load %arg4[%get3A_134, %get3A_135, %get3A_136] : memref<8x128x2048xbf16, #tpu.memory_space<vmem>>, vector<1x64x512xbf16>
      %get3A_138 = vector.shape_cast %get3A_137 : vector<1x64x512xbf16> to vector<64x512xbf16>
      %concatenate3A_139 = tpu.concatenate %get3A_138, %broadcast_in_dim3A_55 in 0 : vector<64x512xbf16>, vector<8x512xbf16> -> vector<72x512xbf16>
      %dot_general3A_140 = arith.constant dense<0.000000e+00> : vector<512x512xf32>
      %dot_general3A_141 = tpu.matmul %get3A_131, %get3A_53, %dot_general3A_140 {dimension_numbers = #tpu.dot_dimension_numbers<[0], [0], [1], [1], [0, 1, 1, 1], [], []>, transpose_lhs_hint = false} : vector<64x512xbf16>, vector<64x512xbf16>, vector<512x512xf32> -> vector<512x512xf32>
      %mul3A_142 = arith.constant 1.250000e-01 : f32
      %mul3A_143 = vector.broadcast %mul3A_142 : f32 to vector<512x512xf32>
      %mul3A_144 = arith.mulf %dot_general3A_141, %mul3A_143 : vector<512x512xf32>
      %reduce_max3A_145 = arith.constant dense<0xFF800000> : vector<512xf32>
      %reduce_max3A_146 = vector.multi_reduction <maximumf>, %mul3A_144, %reduce_max3A_145 [0] : vector<512x512xf32> to vector<512xf32>
      %broadcast_in_dim3A_147 = vector.shape_cast %reduce_max3A_146 : vector<512xf32> to vector<1x512xf32>
      %max3A_148 = arith.maximumf %while3A_123, %broadcast_in_dim3A_147 : vector<1x512xf32>
      %sub3A_149 = arith.subf %while3A_123, %max3A_148 : vector<1x512xf32>
      %exp3A_150 = math.exp %sub3A_149 : vector<1x512xf32>
      %sub3A_151 = vector.broadcast %max3A_148 : vector<1x512xf32> to vector<512x512xf32>
      %sub3A_152 = arith.subf %mul3A_144, %sub3A_151 : vector<512x512xf32>
      %exp3A_153 = math.exp %sub3A_152 : vector<512x512xf32>
      %mul3A_154 = vector.broadcast %exp3A_150 : vector<1x512xf32> to vector<72x512xf32>
      %mul3A_155 = arith.mulf %while3A_124, %mul3A_154 : vector<72x512xf32>
      %convert_element_type3A_156 = arith.truncf %exp3A_153 : vector<512x512xf32> to vector<512x512xbf16>
      %dot_general3A_157 = arith.constant dense<0.000000e+00> : vector<72x512xf32>
      %dot_general3A_158 = tpu.matmul %concatenate3A_139, %convert_element_type3A_156, %dot_general3A_157 {dimension_numbers = #tpu.dot_dimension_numbers<[1], [0], [0], [1], [0, 0, 1, 1], [], []>, transpose_lhs_hint = false} : vector<72x512xbf16>, vector<512x512xbf16>, vector<72x512xf32> -> vector<72x512xf32>
      %add3A_159 = arith.addf %mul3A_155, %dot_general3A_158 : vector<72x512xf32>
      scf.yield %max3A_148, %add3A_159 : vector<1x512xf32>, vector<72x512xf32>
    }
    %while3A_69 = arith.constant 1 : i32
    %while3A_70:2 = scf.for %while3A_122 = %while3A_66 to %while3A_62 step %while3A_69 iter_args(%while3A_123 = %while3A_68#0, %while3A_124 = %while3A_68#1) -> (vector<1x512xf32>, vector<72x512xf32>)  : i32 {
      %mul3A_125 = arith.constant 512 : i32
      %mul3A_126 = arith.muli %while3A_122, %mul3A_125 : i32
      %get3A_127 = arith.index_cast %arg1 : i32 to index
      %get3A_128 = arith.constant 64 : index
      %get3A_129 = arith.index_cast %mul3A_126 : i32 to index
      %get3A_130 = vector.load %arg3[%get3A_127, %get3A_128, %get3A_129] : memref<8x128x2048xbf16, #tpu.memory_space<vmem>>, vector<1x64x512xbf16>
      %get3A_131 = vector.shape_cast %get3A_130 : vector<1x64x512xbf16> to vector<64x512xbf16>
      %mul3A_132 = arith.constant 512 : i32
      %mul3A_133 = arith.muli %while3A_122, %mul3A_132 : i32
      %get3A_134 = arith.index_cast %arg1 : i32 to index
      %get3A_135 = arith.constant 64 : index
      %get3A_136 = arith.index_cast %mul3A_133 : i32 to index
      %get3A_137 = vector.load %arg4[%get3A_134, %get3A_135, %get3A_136] : memref<8x128x2048xbf16, #tpu.memory_space<vmem>>, vector<1x64x512xbf16>
      %get3A_138 = vector.shape_cast %get3A_137 : vector<1x64x512xbf16> to vector<64x512xbf16>
      %concatenate3A_139 = tpu.concatenate %get3A_138, %broadcast_in_dim3A_55 in 0 : vector<64x512xbf16>, vector<8x512xbf16> -> vector<72x512xbf16>
      %dot_general3A_140 = arith.constant dense<0.000000e+00> : vector<512x512xf32>
      %dot_general3A_141 = tpu.matmul %get3A_131, %get3A_53, %dot_general3A_140 {dimension_numbers = #tpu.dot_dimension_numbers<[0], [0], [1], [1], [0, 1, 1, 1], [], []>, transpose_lhs_hint = false} : vector<64x512xbf16>, vector<64x512xbf16>, vector<512x512xf32> -> vector<512x512xf32>
      %mul3A_142 = arith.constant 1.250000e-01 : f32
      %mul3A_143 = vector.broadcast %mul3A_142 : f32 to vector<512x512xf32>
      %mul3A_144 = arith.mulf %dot_general3A_141, %mul3A_143 : vector<512x512xf32>
      %reduce_max3A_145 = arith.constant dense<0xFF800000> : vector<512xf32>
      %reduce_max3A_146 = vector.multi_reduction <maximumf>, %mul3A_144, %reduce_max3A_145 [0] : vector<512x512xf32> to vector<512xf32>
      %broadcast_in_dim3A_147 = vector.shape_cast %reduce_max3A_146 : vector<512xf32> to vector<1x512xf32>
      %max3A_148 = arith.maximumf %while3A_123, %broadcast_in_dim3A_147 : vector<1x512xf32>
      %sub3A_149 = arith.subf %while3A_123, %max3A_148 : vector<1x512xf32>
      %exp3A_150 = math.exp %sub3A_149 : vector<1x512xf32>
      %sub3A_151 = vector.broadcast %max3A_148 : vector<1x512xf32> to vector<512x512xf32>
      %sub3A_152 = arith.subf %mul3A_144, %sub3A_151 : vector<512x512xf32>
      %exp3A_153 = math.exp %sub3A_152 : vector<512x512xf32>
      %mul3A_154 = vector.broadcast %exp3A_150 : vector<1x512xf32> to vector<72x512xf32>
      %mul3A_155 = arith.mulf %while3A_124, %mul3A_154 : vector<72x512xf32>
      %convert_element_type3A_156 = arith.truncf %exp3A_153 : vector<512x512xf32> to vector<512x512xbf16>
      %dot_general3A_157 = arith.constant dense<0.000000e+00> : vector<72x512xf32>
      %dot_general3A_158 = tpu.matmul %concatenate3A_139, %convert_element_type3A_156, %dot_general3A_157 {dimension_numbers = #tpu.dot_dimension_numbers<[1], [0], [0], [1], [0, 0, 1, 1], [], []>, transpose_lhs_hint = false} : vector<72x512xbf16>, vector<512x512xbf16>, vector<72x512xf32> -> vector<72x512xf32>
      %add3A_159 = arith.addf %mul3A_155, %dot_general3A_158 : vector<72x512xf32>
      scf.yield %max3A_148, %add3A_159 : vector<1x512xf32>, vector<72x512xf32>
    }
    %mul3A_71 = arith.constant 512 : i32
    %mul3A_72 = arith.muli %arg0, %mul3A_71 : i32
    %get3A_73 = arith.index_cast %arg1 : i32 to index
    %get3A_74 = arith.constant 64 : index
    %get3A_75 = arith.index_cast %mul3A_72 : i32 to index
    %get3A_76 = vector.load %arg3[%get3A_73, %get3A_74, %get3A_75] : memref<8x128x2048xbf16, #tpu.memory_space<vmem>>, vector<1x64x512xbf16>
    %get3A_77 = vector.shape_cast %get3A_76 : vector<1x64x512xbf16> to vector<64x512xbf16>
    %mul3A_78 = arith.constant 512 : i32
    %mul3A_79 = arith.muli %arg0, %mul3A_78 : i32
    %get3A_80 = arith.index_cast %arg1 : i32 to index
    %get3A_81 = arith.constant 64 : index
    %get3A_82 = arith.index_cast %mul3A_79 : i32 to index
    %get3A_83 = vector.load %arg4[%get3A_80, %get3A_81, %get3A_82] : memref<8x128x2048xbf16, #tpu.memory_space<vmem>>, vector<1x64x512xbf16>
    %get3A_84 = vector.shape_cast %get3A_83 : vector<1x64x512xbf16> to vector<64x512xbf16>
    %concatenate3A_85 = tpu.concatenate %get3A_84, %broadcast_in_dim3A_55 in 0 : vector<64x512xbf16>, vector<8x512xbf16> -> vector<72x512xbf16>
    %dot_general3A_86 = arith.constant dense<0.000000e+00> : vector<512x512xf32>
    %dot_general3A_87 = tpu.matmul %get3A_77, %get3A_53, %dot_general3A_86 {dimension_numbers = #tpu.dot_dimension_numbers<[0], [0], [1], [1], [0, 1, 1, 1], [], []>, transpose_lhs_hint = false} : vector<64x512xbf16>, vector<64x512xbf16>, vector<512x512xf32> -> vector<512x512xf32>
    %mul3A_88 = arith.constant 1.250000e-01 : f32
    %mul3A_89 = vector.broadcast %mul3A_88 : f32 to vector<512x512xf32>
    %mul3A_90 = arith.mulf %dot_general3A_87, %mul3A_89 : vector<512x512xf32>
    %jit3A_91 = arith.constant -1.000000e+30 : f32
    %broadcast_in_dim3A_92 = vector.broadcast %jit3A_91 : f32 to vector<512x512xf32>
    %select_n3A_93 = arith.select %le3A, %mul3A_90, %broadcast_in_dim3A_92 : vector<512x512xi1>, vector<512x512xf32>
    %reduce_max3A_94 = arith.constant dense<0xFF800000> : vector<512xf32>
    %reduce_max3A_95 = vector.multi_reduction <maximumf>, %select_n3A_93, %reduce_max3A_94 [0] : vector<512x512xf32> to vector<512xf32>
    %broadcast_in_dim3A_96 = vector.shape_cast %reduce_max3A_95 : vector<512xf32> to vector<1x512xf32>
    %max3A_97 = arith.maximumf %while3A_70#0, %broadcast_in_dim3A_96 : vector<1x512xf32>
    %sub3A_98 = arith.subf %while3A_70#0, %max3A_97 : vector<1x512xf32>
    %exp3A_99 = math.exp %sub3A_98 : vector<1x512xf32>
    %sub3A_100 = vector.broadcast %max3A_97 : vector<1x512xf32> to vector<512x512xf32>
    %sub3A_101 = arith.subf %select_n3A_93, %sub3A_100 : vector<512x512xf32>
    %exp3A_102 = math.exp %sub3A_101 : vector<512x512xf32>
    %mul3A_103 = vector.broadcast %exp3A_99 : vector<1x512xf32> to vector<72x512xf32>
    %mul3A_104 = arith.mulf %while3A_70#1, %mul3A_103 : vector<72x512xf32>
    %convert_element_type3A_105 = arith.truncf %exp3A_102 : vector<512x512xf32> to vector<512x512xbf16>
    %dot_general3A_106 = arith.constant dense<0.000000e+00> : vector<72x512xf32>
    %dot_general3A_107 = tpu.matmul %concatenate3A_85, %convert_element_type3A_105, %dot_general3A_106 {dimension_numbers = #tpu.dot_dimension_numbers<[1], [0], [0], [1], [0, 0, 1, 1], [], []>, transpose_lhs_hint = false} : vector<72x512xbf16>, vector<512x512xbf16>, vector<72x512xf32> -> vector<72x512xf32>
    %add3A_108 = arith.addf %mul3A_104, %dot_general3A_107 : vector<72x512xf32>
    %slice3A_109 = vector.extract_strided_slice %add3A_108 {offsets = [0, 0], sizes = [64, 512], strides = [1, 1]} : vector<72x512xf32> to vector<64x512xf32>
    %slice3A_110 = vector.extract_strided_slice %add3A_108 {offsets = [64, 0], sizes = [1, 512], strides = [1, 1]} : vector<72x512xf32> to vector<1x512xf32>
    %div3A_111 = vector.broadcast %slice3A_110 : vector<1x512xf32> to vector<64x512xf32>
    %div3A_112 = arith.divf %slice3A_109, %div3A_111 : vector<64x512xf32>
    %concatenate3A_113 = tpu.concatenate %div3A_48, %div3A_112 in 0 : vector<64x512xf32>, vector<64x512xf32> -> vector<128x512xf32>
    %swap3A = arith.index_cast %arg1 : i32 to index
    %swap3A_114 = arith.constant 0 : index
    %swap3A_115 = arith.constant 0 : index
    %swap3A_116 = vector.load %arg14[%swap3A, %swap3A_114, %swap3A_115] : memref<8x128x512xf32, #tpu.memory_space<vmem>>, vector<1x128x512xf32>
    %swap3A_117 = vector.shape_cast %swap3A_116 : vector<1x128x512xf32> to vector<128x512xf32>
    %swap3A_118 = vector.shape_cast %concatenate3A_113 : vector<128x512xf32> to vector<1x128x512xf32>
    tpu.vector_store %arg14[%swap3A, %swap3A_114, %swap3A_115], %swap3A_118 {strides = array<i32>} : memref<8x128x512xf32, #tpu.memory_space<vmem>>, vector<1x128x512xf32>,
    %eq3A = arith.constant 7 : i32
    %eq3A_119 = arith.cmpi eq, %arg1, %eq3A : i32
    %convert_element_type3A_120 = arith.extui %eq3A_119 : i1 to i32
    %cond3A = arith.constant 0 : i32
    %cond3A_121 = arith.cmpi ne, %convert_element_type3A_120, %cond3A : i32
    scf.if %cond3A_121 {
      %get3A_122 = arith.constant 0 : index
      %get3A_123 = arith.constant 0 : index
      %get3A_124 = arith.constant 0 : index
      %get3A_125 = vector.load %arg14[%get3A_122, %get3A_123, %get3A_124] : memref<8x128x512xf32, #tpu.memory_space<vmem>>, vector<8x128x512xf32>
      %reshape3A = vector.shape_cast %get3A_125 : vector<8x128x512xf32> to vector<1024x512xf32>
      %get3A_126 = arith.constant 0 : index
      %get3A_127 = arith.constant 0 : index
      %get3A_128 = vector.load %arg6[%get3A_126, %get3A_127] : memref<1024x1024xf32, #tpu.memory_space<vmem>>, vector<1024x1024xf32>
      %dot_general3A_129 = arith.constant dense<0.000000e+00> : vector<512x1024xf32>
      %dot_general3A_130 = tpu.matmul %reshape3A, %get3A_128, %dot_general3A_129 {dimension_numbers = #tpu.dot_dimension_numbers<[0], [0], [1], [1], [0, 1, 1, 1], [], []>, transpose_lhs_hint = false} : vector<1024x512xf32>, vector<1024x1024xf32>, vector<512x1024xf32> -> vector<512x1024xf32>
      %get3A_131 = arith.constant 0 : index
      %get3A_132 = arith.constant 0 : index
      %get3A_133 = vector.load %arg5[%get3A_131, %get3A_132] : memref<512x1024xf32, #tpu.memory_space<vmem>>, vector<512x1024xf32>
      %add3A_134 = arith.addf %get3A_133, %dot_general3A_130 : vector<512x1024xf32>
      %get3A_135 = arith.constant 0 : index
      %get3A_136 = arith.constant 0 : index
      %get3A_137 = vector.load %arg7[%get3A_135, %get3A_136] : memref<1x1024xf32, #tpu.memory_space<vmem>>, vector<1x1024xf32>
      %mul3A_138 = arith.mulf %add3A_134, %add3A_134 : vector<512x1024xf32>
      %reduce_sum3A = arith.constant dense<0.000000e+00> : vector<512xf32>
      %reduce_sum3A_139 = vector.multi_reduction <add>, %mul3A_138, %reduce_sum3A [1] : vector<512x1024xf32> to vector<512xf32>
      %broadcast_in_dim3A_140 = vector.shape_cast %reduce_sum3A_139 : vector<512xf32> to vector<512x1xf32>
      %div3A_141 = arith.constant 1.024000e+03 : f32
      %div3A_142 = vector.broadcast %div3A_141 : f32 to vector<512x1xf32>
      %div3A_143 = arith.divf %broadcast_in_dim3A_140, %div3A_142 : vector<512x1xf32>
      %add3A_144 = arith.constant 9.99999997E-7 : f32
      %add3A_145 = vector.broadcast %add3A_144 : f32 to vector<512x1xf32>
      %add3A_146 = arith.addf %div3A_143, %add3A_145 : vector<512x1xf32>
      %rsqrt3A = math.rsqrt %add3A_146 : vector<512x1xf32>
      %mul3A_147 = vector.broadcast %rsqrt3A : vector<512x1xf32> to vector<512x1024xf32>
      %mul3A_148 = arith.mulf %add3A_134, %mul3A_147 : vector<512x1024xf32>
      %mul3A_149 = vector.broadcast %get3A_137 : vector<1x1024xf32> to vector<512x1024xf32>
      %mul3A_150 = arith.mulf %mul3A_148, %mul3A_149 : vector<512x1024xf32>
      %convert_element_type3A_151 = arith.truncf %mul3A_150 : vector<512x1024xf32> to vector<512x1024xbf16>
      %get3A_152 = arith.constant 0 : index
      %get3A_153 = arith.constant 0 : index
      %get3A_154 = vector.load %arg8[%get3A_152, %get3A_153] : memref<1024x8xf32, #tpu.memory_space<vmem>>, vector<1024x8xf32>
      %dot_general3A_155 = arith.constant dense<0.000000e+00> : vector<512x8xf32>
      %dot_general3A_156 = tpu.matmul %mul3A_150, %get3A_154, %dot_general3A_155 {dimension_numbers = #tpu.dot_dimension_numbers<[1], [0], [0], [1], [0, 0, 1, 1], [], []>, transpose_lhs_hint = false} : vector<512x1024xf32>, vector<1024x8xf32>, vector<512x8xf32> -> vector<512x8xf32>
      %reduce_max3A_157 = arith.constant dense<0xFF800000> : vector<512xf32>
      %reduce_max3A_158 = vector.multi_reduction <maximumf>, %dot_general3A_156, %reduce_max3A_157 [1] : vector<512x8xf32> to vector<512xf32>
      %broadcast_in_dim3A_159 = vector.shape_cast %reduce_max3A_158 : vector<512xf32> to vector<512x1xf32>
      %sub3A_160 = vector.broadcast %broadcast_in_dim3A_159 : vector<512x1xf32> to vector<512x8xf32>
      %sub3A_161 = arith.subf %dot_general3A_156, %sub3A_160 : vector<512x8xf32>
      %exp3A_162 = math.exp %sub3A_161 : vector<512x8xf32>
      %reduce_sum3A_163 = arith.constant dense<0.000000e+00> : vector<512xf32>
      %reduce_sum3A_164 = vector.multi_reduction <add>, %exp3A_162, %reduce_sum3A_163 [1] : vector<512x8xf32> to vector<512xf32>
      %broadcast_in_dim3A_165 = vector.shape_cast %reduce_sum3A_164 : vector<512xf32> to vector<512x1xf32>
      %div3A_166 = vector.broadcast %broadcast_in_dim3A_165 : vector<512x1xf32> to vector<512x8xf32>
      %div3A_167 = arith.divf %exp3A_162, %div3A_166 : vector<512x8xf32>
      %iota3A_168 = tpu.iota {dimensions = array<i32: 1>} : vector<512x8xi32>
      %reduce_max3A_169 = arith.constant dense<0xFF800000> : vector<512xf32>
      %reduce_max3A_170 = vector.multi_reduction <maximumf>, %div3A_167, %reduce_max3A_169 [1] : vector<512x8xf32> to vector<512xf32>
      %broadcast_in_dim3A_171 = vector.shape_cast %reduce_max3A_170 : vector<512xf32> to vector<512x1xf32>
      %eq3A_172 = vector.broadcast %broadcast_in_dim3A_171 : vector<512x1xf32> to vector<512x8xf32>
      %eq3A_173 = arith.cmpf oeq, %div3A_167, %eq3A_172 : vector<512x8xf32>
      %jit3A_174 = arith.constant 8 : i32
      %broadcast_in_dim3A_175 = vector.broadcast %jit3A_174 : i32 to vector<512x8xi32>
      %select_n3A_176 = arith.select %eq3A_173, %iota3A_168, %broadcast_in_dim3A_175 : vector<512x8xi1>, vector<512x8xi32>
      %reduce_min3A = arith.constant dense<2147483647> : vector<512xi32>
      %reduce_min3A_177 = vector.multi_reduction <minsi>, %select_n3A_176, %reduce_min3A [1] : vector<512x8xi32> to vector<512xi32>
      %broadcast_in_dim3A_178 = vector.shape_cast %reduce_min3A_177 : vector<512xi32> to vector<512x1xi32>
      %eq3A_179 = vector.broadcast %broadcast_in_dim3A_178 : vector<512x1xi32> to vector<512x8xi32>
      %eq3A_180 = arith.cmpi eq, %iota3A_168, %eq3A_179 : vector<512x8xi32>
      %jit3A_181 = arith.constant -1.000000e+00 : f32
      %broadcast_in_dim3A_182 = vector.broadcast %jit3A_181 : f32 to vector<512x8xf32>
      %select_n3A_183 = arith.select %eq3A_180, %broadcast_in_dim3A_182, %div3A_167 : vector<512x8xi1>, vector<512x8xf32>
      %reduce_max3A_184 = arith.constant dense<0xFF800000> : vector<512xf32>
      %reduce_max3A_185 = vector.multi_reduction <maximumf>, %select_n3A_183, %reduce_max3A_184 [1] : vector<512x8xf32> to vector<512xf32>
      %broadcast_in_dim3A_186 = vector.shape_cast %reduce_max3A_185 : vector<512xf32> to vector<512x1xf32>
      %eq3A_187 = vector.broadcast %broadcast_in_dim3A_186 : vector<512x1xf32> to vector<512x8xf32>
      %eq3A_188 = arith.cmpf oeq, %select_n3A_183, %eq3A_187 : vector<512x8xf32>
      %jit3A_189 = arith.constant 8 : i32
      %broadcast_in_dim3A_190 = vector.broadcast %jit3A_189 : i32 to vector<512x8xi32>
      %select_n3A_191 = arith.select %eq3A_188, %iota3A_168, %broadcast_in_dim3A_190 : vector<512x8xi1>, vector<512x8xi32>
      %reduce_min3A_192 = arith.constant dense<2147483647> : vector<512xi32>
      %reduce_min3A_193 = vector.multi_reduction <minsi>, %select_n3A_191, %reduce_min3A_192 [1] : vector<512x8xi32> to vector<512xi32>
      %broadcast_in_dim3A_194 = vector.shape_cast %reduce_min3A_193 : vector<512xi32> to vector<512x1xi32>
      %eq3A_195 = vector.broadcast %broadcast_in_dim3A_194 : vector<512x1xi32> to vector<512x8xi32>
      %eq3A_196 = arith.cmpi eq, %iota3A_168, %eq3A_195 : vector<512x8xi32>
      %jit3A_197 = arith.constant 0.000000e+00 : f32
      %broadcast_in_dim3A_198 = vector.shape_cast %broadcast_in_dim3A_171 : vector<512x1xf32> to vector<512x1xf32>
      %broadcast_in_dim3A_199 = vector.broadcast %broadcast_in_dim3A_198 : vector<512x1xf32> to vector<512x8xf32>
      %broadcast_in_dim3A_200 = vector.broadcast %jit3A_197 : f32 to vector<512x8xf32>
      %select_n3A_201 = arith.select %eq3A_180, %broadcast_in_dim3A_199, %broadcast_in_dim3A_200 : vector<512x8xi1>, vector<512x8xf32>
      %jit3A_202 = arith.constant 0.000000e+00 : f32
      %broadcast_in_dim3A_203 = vector.shape_cast %broadcast_in_dim3A_186 : vector<512x1xf32> to vector<512x1xf32>
      %broadcast_in_dim3A_204 = vector.broadcast %broadcast_in_dim3A_203 : vector<512x1xf32> to vector<512x8xf32>
      %broadcast_in_dim3A_205 = vector.broadcast %jit3A_202 : f32 to vector<512x8xf32>
      %select_n3A_206 = arith.select %eq3A_196, %broadcast_in_dim3A_204, %broadcast_in_dim3A_205 : vector<512x8xi1>, vector<512x8xf32>
      %add3A_207 = arith.addf %select_n3A_201, %select_n3A_206 : vector<512x8xf32>
      %add3A_208 = arith.addf %broadcast_in_dim3A_171, %broadcast_in_dim3A_186 : vector<512x1xf32>
      %div3A_209 = vector.broadcast %add3A_208 : vector<512x1xf32> to vector<512x8xf32>
      %div3A_210 = arith.divf %add3A_207, %div3A_209 : vector<512x8xf32>
      %broadcast_in_dim3A_211 = arith.constant 0.000000e+00 : f32
      %broadcast_in_dim3A_212 = vector.broadcast %broadcast_in_dim3A_211 : f32 to vector<512x1024xf32>
      %get3A_213 = arith.constant 0 : index
      %get3A_214 = arith.constant 0 : index
      %get3A_215 = arith.constant 0 : index
      %get3A_216 = vector.load %arg9[%get3A_213, %get3A_214, %get3A_215] : memref<8x1024x256xbf16, #tpu.memory_space<vmem>>, vector<1x1024x256xbf16>
      %get3A_217 = vector.shape_cast %get3A_216 : vector<1x1024x256xbf16> to vector<1024x256xbf16>
      %dot_general3A_218 = arith.constant dense<0.000000e+00> : vector<512x256xf32>
      %dot_general3A_219 = tpu.matmul %convert_element_type3A_151, %get3A_217, %dot_general3A_218 {dimension_numbers = #tpu.dot_dimension_numbers<[1], [0], [0], [1], [0, 0, 1, 1], [], []>, transpose_lhs_hint = false} : vector<512x1024xbf16>, vector<1024x256xbf16>, vector<512x256xf32> -> vector<512x256xf32>
      %get3A_220 = arith.constant 0 : index
      %get3A_221 = arith.constant 0 : index
      %get3A_222 = arith.constant 0 : index
      %get3A_223 = vector.load %arg10[%get3A_220, %get3A_221, %get3A_222] : memref<8x1024x256xbf16, #tpu.memory_space<vmem>>, vector<1x1024x256xbf16>
      %get3A_224 = vector.shape_cast %get3A_223 : vector<1x1024x256xbf16> to vector<1024x256xbf16>
      %dot_general3A_225 = arith.constant dense<0.000000e+00> : vector<512x256xf32>
      %dot_general3A_226 = tpu.matmul %convert_element_type3A_151, %get3A_224, %dot_general3A_225 {dimension_numbers = #tpu.dot_dimension_numbers<[1], [0], [0], [1], [0, 0, 1, 1], [], []>, transpose_lhs_hint = false} : vector<512x1024xbf16>, vector<1024x256xbf16>, vector<512x256xf32> -> vector<512x256xf32>
      %neg3A = arith.constant 0.000000e+00 : f32
      %neg3A_227 = vector.broadcast %neg3A : f32 to vector<512x256xf32>
      %neg3A_228 = arith.subf %neg3A_227, %dot_general3A_219 : vector<512x256xf32>
      %exp3A_229 = math.exp %neg3A_228 : vector<512x256xf32>
      %add3A_230 = arith.constant 1.000000e+00 : f32
      %add3A_231 = vector.broadcast %add3A_230 : f32 to vector<512x256xf32>
      %add3A_232 = arith.addf %add3A_231, %exp3A_229 : vector<512x256xf32>
      %div3A_233 = arith.divf %dot_general3A_219, %add3A_232 : vector<512x256xf32>
      %mul3A_234 = arith.mulf %div3A_233, %dot_general3A_226 : vector<512x256xf32>
      %convert_element_type3A_235 = arith.truncf %mul3A_234 : vector<512x256xf32> to vector<512x256xbf16>
      %slice3A_236 = vector.extract_strided_slice %div3A_210 {offsets = [0, 0], sizes = [512, 1], strides = [1, 1]} : vector<512x8xf32> to vector<512x1xf32>
      %get3A_237 = arith.constant 0 : index
      %get3A_238 = arith.constant 0 : index
      %get3A_239 = arith.constant 0 : index
      %get3A_240 = vector.load %arg11[%get3A_237, %get3A_238, %get3A_239] : memref<8x256x1024xbf16, #tpu.memory_space<vmem>>, vector<1x256x1024xbf16>
      %get3A_241 = vector.shape_cast %get3A_240 : vector<1x256x1024xbf16> to vector<256x1024xbf16>
      %dot_general3A_242 = arith.constant dense<0.000000e+00> : vector<512x1024xf32>
      %dot_general3A_243 = tpu.matmul %convert_element_type3A_235, %get3A_241, %dot_general3A_242 {dimension_numbers = #tpu.dot_dimension_numbers<[1], [0], [0], [1], [0, 0, 1, 1], [], []>, transpose_lhs_hint = false} : vector<512x256xbf16>, vector<256x1024xbf16>, vector<512x1024xf32> -> vector<512x1024xf32>
      %mul3A_244 = vector.broadcast %slice3A_236 : vector<512x1xf32> to vector<512x1024xf32>
      %mul3A_245 = arith.mulf %mul3A_244, %dot_general3A_243 : vector<512x1024xf32>
      %add3A_246 = arith.addf %broadcast_in_dim3A_212, %mul3A_245 : vector<512x1024xf32>
      %get3A_247 = arith.constant 1 : index
      %get3A_248 = arith.constant 0 : index
      %get3A_249 = arith.constant 0 : index
      %get3A_250 = vector.load %arg9[%get3A_247, %get3A_248, %get3A_249] : memref<8x1024x256xbf16, #tpu.memory_space<vmem>>, vector<1x1024x256xbf16>
      %get3A_251 = vector.shape_cast %get3A_250 : vector<1x1024x256xbf16> to vector<1024x256xbf16>
      %dot_general3A_252 = arith.constant dense<0.000000e+00> : vector<512x256xf32>
      %dot_general3A_253 = tpu.matmul %convert_element_type3A_151, %get3A_251, %dot_general3A_252 {dimension_numbers = #tpu.dot_dimension_numbers<[1], [0], [0], [1], [0, 0, 1, 1], [], []>, transpose_lhs_hint = false} : vector<512x1024xbf16>, vector<1024x256xbf16>, vector<512x256xf32> -> vector<512x256xf32>
      %get3A_254 = arith.constant 1 : index
      %get3A_255 = arith.constant 0 : index
      %get3A_256 = arith.constant 0 : index
      %get3A_257 = vector.load %arg10[%get3A_254, %get3A_255, %get3A_256] : memref<8x1024x256xbf16, #tpu.memory_space<vmem>>, vector<1x1024x256xbf16>
      %get3A_258 = vector.shape_cast %get3A_257 : vector<1x1024x256xbf16> to vector<1024x256xbf16>
      %dot_general3A_259 = arith.constant dense<0.000000e+00> : vector<512x256xf32>
      %dot_general3A_260 = tpu.matmul %convert_element_type3A_151, %get3A_258, %dot_general3A_259 {dimension_numbers = #tpu.dot_dimension_numbers<[1], [0], [0], [1], [0, 0, 1, 1], [], []>, transpose_lhs_hint = false} : vector<512x1024xbf16>, vector<1024x256xbf16>, vector<512x256xf32> -> vector<512x256xf32>
      %neg3A_261 = arith.constant 0.000000e+00 : f32
      %neg3A_262 = vector.broadcast %neg3A_261 : f32 to vector<512x256xf32>
      %neg3A_263 = arith.subf %neg3A_262, %dot_general3A_253 : vector<512x256xf32>
      %exp3A_264 = math.exp %neg3A_263 : vector<512x256xf32>
      %add3A_265 = arith.constant 1.000000e+00 : f32
      %add3A_266 = vector.broadcast %add3A_265 : f32 to vector<512x256xf32>
      %add3A_267 = arith.addf %add3A_266, %exp3A_264 : vector<512x256xf32>
      %div3A_268 = arith.divf %dot_general3A_253, %add3A_267 : vector<512x256xf32>
      %mul3A_269 = arith.mulf %div3A_268, %dot_general3A_260 : vector<512x256xf32>
      %convert_element_type3A_270 = arith.truncf %mul3A_269 : vector<512x256xf32> to vector<512x256xbf16>
      %slice3A_271 = vector.extract_strided_slice %div3A_210 {offsets = [0, 1], sizes = [512, 1], strides = [1, 1]} : vector<512x8xf32> to vector<512x1xf32>
      %get3A_272 = arith.constant 1 : index
      %get3A_273 = arith.constant 0 : index
      %get3A_274 = arith.constant 0 : index
      %get3A_275 = vector.load %arg11[%get3A_272, %get3A_273, %get3A_274] : memref<8x256x1024xbf16, #tpu.memory_space<vmem>>, vector<1x256x1024xbf16>
      %get3A_276 = vector.shape_cast %get3A_275 : vector<1x256x1024xbf16> to vector<256x1024xbf16>
      %dot_general3A_277 = arith.constant dense<0.000000e+00> : vector<512x1024xf32>
      %dot_general3A_278 = tpu.matmul %convert_element_type3A_270, %get3A_276, %dot_general3A_277 {dimension_numbers = #tpu.dot_dimension_numbers<[1], [0], [0], [1], [0, 0, 1, 1], [], []>, transpose_lhs_hint = false} : vector<512x256xbf16>, vector<256x1024xbf16>, vector<512x1024xf32> -> vector<512x1024xf32>
      %mul3A_279 = vector.broadcast %slice3A_271 : vector<512x1xf32> to vector<512x1024xf32>
      %mul3A_280 = arith.mulf %mul3A_279, %dot_general3A_278 : vector<512x1024xf32>
      %add3A_281 = arith.addf %add3A_246, %mul3A_280 : vector<512x1024xf32>
      %get3A_282 = arith.constant 2 : index
      %get3A_283 = arith.constant 0 : index
      %get3A_284 = arith.constant 0 : index
      %get3A_285 = vector.load %arg9[%get3A_282, %get3A_283, %get3A_284] : memref<8x1024x256xbf16, #tpu.memory_space<vmem>>, vector<1x1024x256xbf16>
      %get3A_286 = vector.shape_cast %get3A_285 : vector<1x1024x256xbf16> to vector<1024x256xbf16>
      %dot_general3A_287 = arith.constant dense<0.000000e+00> : vector<512x256xf32>
      %dot_general3A_288 = tpu.matmul %convert_element_type3A_151, %get3A_286, %dot_general3A_287 {dimension_numbers = #tpu.dot_dimension_numbers<[1], [0], [0], [1], [0, 0, 1, 1], [], []>, transpose_lhs_hint = false} : vector<512x1024xbf16>, vector<1024x256xbf16>, vector<512x256xf32> -> vector<512x256xf32>
      %get3A_289 = arith.constant 2 : index
      %get3A_290 = arith.constant 0 : index
      %get3A_291 = arith.constant 0 : index
      %get3A_292 = vector.load %arg10[%get3A_289, %get3A_290, %get3A_291] : memref<8x1024x256xbf16, #tpu.memory_space<vmem>>, vector<1x1024x256xbf16>
      %get3A_293 = vector.shape_cast %get3A_292 : vector<1x1024x256xbf16> to vector<1024x256xbf16>
      %dot_general3A_294 = arith.constant dense<0.000000e+00> : vector<512x256xf32>
      %dot_general3A_295 = tpu.matmul %convert_element_type3A_151, %get3A_293, %dot_general3A_294 {dimension_numbers = #tpu.dot_dimension_numbers<[1], [0], [0], [1], [0, 0, 1, 1], [], []>, transpose_lhs_hint = false} : vector<512x1024xbf16>, vector<1024x256xbf16>, vector<512x256xf32> -> vector<512x256xf32>
      %neg3A_296 = arith.constant 0.000000e+00 : f32
      %neg3A_297 = vector.broadcast %neg3A_296 : f32 to vector<512x256xf32>
      %neg3A_298 = arith.subf %neg3A_297, %dot_general3A_288 : vector<512x256xf32>
      %exp3A_299 = math.exp %neg3A_298 : vector<512x256xf32>
      %add3A_300 = arith.constant 1.000000e+00 : f32
      %add3A_301 = vector.broadcast %add3A_300 : f32 to vector<512x256xf32>
      %add3A_302 = arith.addf %add3A_301, %exp3A_299 : vector<512x256xf32>
      %div3A_303 = arith.divf %dot_general3A_288, %add3A_302 : vector<512x256xf32>
      %mul3A_304 = arith.mulf %div3A_303, %dot_general3A_295 : vector<512x256xf32>
      %convert_element_type3A_305 = arith.truncf %mul3A_304 : vector<512x256xf32> to vector<512x256xbf16>
      %slice3A_306 = vector.extract_strided_slice %div3A_210 {offsets = [0, 2], sizes = [512, 1], strides = [1, 1]} : vector<512x8xf32> to vector<512x1xf32>
      %get3A_307 = arith.constant 2 : index
      %get3A_308 = arith.constant 0 : index
      %get3A_309 = arith.constant 0 : index
      %get3A_310 = vector.load %arg11[%get3A_307, %get3A_308, %get3A_309] : memref<8x256x1024xbf16, #tpu.memory_space<vmem>>, vector<1x256x1024xbf16>
      %get3A_311 = vector.shape_cast %get3A_310 : vector<1x256x1024xbf16> to vector<256x1024xbf16>
      %dot_general3A_312 = arith.constant dense<0.000000e+00> : vector<512x1024xf32>
      %dot_general3A_313 = tpu.matmul %convert_element_type3A_305, %get3A_311, %dot_general3A_312 {dimension_numbers = #tpu.dot_dimension_numbers<[1], [0], [0], [1], [0, 0, 1, 1], [], []>, transpose_lhs_hint = false} : vector<512x256xbf16>, vector<256x1024xbf16>, vector<512x1024xf32> -> vector<512x1024xf32>
      %mul3A_314 = vector.broadcast %slice3A_306 : vector<512x1xf32> to vector<512x1024xf32>
      %mul3A_315 = arith.mulf %mul3A_314, %dot_general3A_313 : vector<512x1024xf32>
      %add3A_316 = arith.addf %add3A_281, %mul3A_315 : vector<512x1024xf32>
      %get3A_317 = arith.constant 3 : index
      %get3A_318 = arith.constant 0 : index
      %get3A_319 = arith.constant 0 : index
      %get3A_320 = vector.load %arg9[%get3A_317, %get3A_318, %get3A_319] : memref<8x1024x256xbf16, #tpu.memory_space<vmem>>, vector<1x1024x256xbf16>
      %get3A_321 = vector.shape_cast %get3A_320 : vector<1x1024x256xbf16> to vector<1024x256xbf16>
      %dot_general3A_322 = arith.constant dense<0.000000e+00> : vector<512x256xf32>
      %dot_general3A_323 = tpu.matmul %convert_element_type3A_151, %get3A_321, %dot_general3A_322 {dimension_numbers = #tpu.dot_dimension_numbers<[1], [0], [0], [1], [0, 0, 1, 1], [], []>, transpose_lhs_hint = false} : vector<512x1024xbf16>, vector<1024x256xbf16>, vector<512x256xf32> -> vector<512x256xf32>
      %get3A_324 = arith.constant 3 : index
      %get3A_325 = arith.constant 0 : index
      %get3A_326 = arith.constant 0 : index
      %get3A_327 = vector.load %arg10[%get3A_324, %get3A_325, %get3A_326] : memref<8x1024x256xbf16, #tpu.memory_space<vmem>>, vector<1x1024x256xbf16>
      %get3A_328 = vector.shape_cast %get3A_327 : vector<1x1024x256xbf16> to vector<1024x256xbf16>
      %dot_general3A_329 = arith.constant dense<0.000000e+00> : vector<512x256xf32>
      %dot_general3A_330 = tpu.matmul %convert_element_type3A_151, %get3A_328, %dot_general3A_329 {dimension_numbers = #tpu.dot_dimension_numbers<[1], [0], [0], [1], [0, 0, 1, 1], [], []>, transpose_lhs_hint = false} : vector<512x1024xbf16>, vector<1024x256xbf16>, vector<512x256xf32> -> vector<512x256xf32>
      %neg3A_331 = arith.constant 0.000000e+00 : f32
      %neg3A_332 = vector.broadcast %neg3A_331 : f32 to vector<512x256xf32>
      %neg3A_333 = arith.subf %neg3A_332, %dot_general3A_323 : vector<512x256xf32>
      %exp3A_334 = math.exp %neg3A_333 : vector<512x256xf32>
      %add3A_335 = arith.constant 1.000000e+00 : f32
      %add3A_336 = vector.broadcast %add3A_335 : f32 to vector<512x256xf32>
      %add3A_337 = arith.addf %add3A_336, %exp3A_334 : vector<512x256xf32>
      %div3A_338 = arith.divf %dot_general3A_323, %add3A_337 : vector<512x256xf32>
      %mul3A_339 = arith.mulf %div3A_338, %dot_general3A_330 : vector<512x256xf32>
      %convert_element_type3A_340 = arith.truncf %mul3A_339 : vector<512x256xf32> to vector<512x256xbf16>
      %slice3A_341 = vector.extract_strided_slice %div3A_210 {offsets = [0, 3], sizes = [512, 1], strides = [1, 1]} : vector<512x8xf32> to vector<512x1xf32>
      %get3A_342 = arith.constant 3 : index
      %get3A_343 = arith.constant 0 : index
      %get3A_344 = arith.constant 0 : index
      %get3A_345 = vector.load %arg11[%get3A_342, %get3A_343, %get3A_344] : memref<8x256x1024xbf16, #tpu.memory_space<vmem>>, vector<1x256x1024xbf16>
      %get3A_346 = vector.shape_cast %get3A_345 : vector<1x256x1024xbf16> to vector<256x1024xbf16>
      %dot_general3A_347 = arith.constant dense<0.000000e+00> : vector<512x1024xf32>
      %dot_general3A_348 = tpu.matmul %convert_element_type3A_340, %get3A_346, %dot_general3A_347 {dimension_numbers = #tpu.dot_dimension_numbers<[1], [0], [0], [1], [0, 0, 1, 1], [], []>, transpose_lhs_hint = false} : vector<512x256xbf16>, vector<256x1024xbf16>, vector<512x1024xf32> -> vector<512x1024xf32>
      %mul3A_349 = vector.broadcast %slice3A_341 : vector<512x1xf32> to vector<512x1024xf32>
      %mul3A_350 = arith.mulf %mul3A_349, %dot_general3A_348 : vector<512x1024xf32>
      %add3A_351 = arith.addf %add3A_316, %mul3A_350 : vector<512x1024xf32>
      %get3A_352 = arith.constant 4 : index
      %get3A_353 = arith.constant 0 : index
      %get3A_354 = arith.constant 0 : index
      %get3A_355 = vector.load %arg9[%get3A_352, %get3A_353, %get3A_354] : memref<8x1024x256xbf16, #tpu.memory_space<vmem>>, vector<1x1024x256xbf16>
      %get3A_356 = vector.shape_cast %get3A_355 : vector<1x1024x256xbf16> to vector<1024x256xbf16>
      %dot_general3A_357 = arith.constant dense<0.000000e+00> : vector<512x256xf32>
      %dot_general3A_358 = tpu.matmul %convert_element_type3A_151, %get3A_356, %dot_general3A_357 {dimension_numbers = #tpu.dot_dimension_numbers<[1], [0], [0], [1], [0, 0, 1, 1], [], []>, transpose_lhs_hint = false} : vector<512x1024xbf16>, vector<1024x256xbf16>, vector<512x256xf32> -> vector<512x256xf32>
      %get3A_359 = arith.constant 4 : index
      %get3A_360 = arith.constant 0 : index
      %get3A_361 = arith.constant 0 : index
      %get3A_362 = vector.load %arg10[%get3A_359, %get3A_360, %get3A_361] : memref<8x1024x256xbf16, #tpu.memory_space<vmem>>, vector<1x1024x256xbf16>
      %get3A_363 = vector.shape_cast %get3A_362 : vector<1x1024x256xbf16> to vector<1024x256xbf16>
      %dot_general3A_364 = arith.constant dense<0.000000e+00> : vector<512x256xf32>
      %dot_general3A_365 = tpu.matmul %convert_element_type3A_151, %get3A_363, %dot_general3A_364 {dimension_numbers = #tpu.dot_dimension_numbers<[1], [0], [0], [1], [0, 0, 1, 1], [], []>, transpose_lhs_hint = false} : vector<512x1024xbf16>, vector<1024x256xbf16>, vector<512x256xf32> -> vector<512x256xf32>
      %neg3A_366 = arith.constant 0.000000e+00 : f32
      %neg3A_367 = vector.broadcast %neg3A_366 : f32 to vector<512x256xf32>
      %neg3A_368 = arith.subf %neg3A_367, %dot_general3A_358 : vector<512x256xf32>
      %exp3A_369 = math.exp %neg3A_368 : vector<512x256xf32>
      %add3A_370 = arith.constant 1.000000e+00 : f32
      %add3A_371 = vector.broadcast %add3A_370 : f32 to vector<512x256xf32>
      %add3A_372 = arith.addf %add3A_371, %exp3A_369 : vector<512x256xf32>
      %div3A_373 = arith.divf %dot_general3A_358, %add3A_372 : vector<512x256xf32>
      %mul3A_374 = arith.mulf %div3A_373, %dot_general3A_365 : vector<512x256xf32>
      %convert_element_type3A_375 = arith.truncf %mul3A_374 : vector<512x256xf32> to vector<512x256xbf16>
      %slice3A_376 = vector.extract_strided_slice %div3A_210 {offsets = [0, 4], sizes = [512, 1], strides = [1, 1]} : vector<512x8xf32> to vector<512x1xf32>
      %get3A_377 = arith.constant 4 : index
      %get3A_378 = arith.constant 0 : index
      %get3A_379 = arith.constant 0 : index
      %get3A_380 = vector.load %arg11[%get3A_377, %get3A_378, %get3A_379] : memref<8x256x1024xbf16, #tpu.memory_space<vmem>>, vector<1x256x1024xbf16>
      %get3A_381 = vector.shape_cast %get3A_380 : vector<1x256x1024xbf16> to vector<256x1024xbf16>
      %dot_general3A_382 = arith.constant dense<0.000000e+00> : vector<512x1024xf32>
      %dot_general3A_383 = tpu.matmul %convert_element_type3A_375, %get3A_381, %dot_general3A_382 {dimension_numbers = #tpu.dot_dimension_numbers<[1], [0], [0], [1], [0, 0, 1, 1], [], []>, transpose_lhs_hint = false} : vector<512x256xbf16>, vector<256x1024xbf16>, vector<512x1024xf32> -> vector<512x1024xf32>
      %mul3A_384 = vector.broadcast %slice3A_376 : vector<512x1xf32> to vector<512x1024xf32>
      %mul3A_385 = arith.mulf %mul3A_384, %dot_general3A_383 : vector<512x1024xf32>
      %add3A_386 = arith.addf %add3A_351, %mul3A_385 : vector<512x1024xf32>
      %get3A_387 = arith.constant 5 : index
      %get3A_388 = arith.constant 0 : index
      %get3A_389 = arith.constant 0 : index
      %get3A_390 = vector.load %arg9[%get3A_387, %get3A_388, %get3A_389] : memref<8x1024x256xbf16, #tpu.memory_space<vmem>>, vector<1x1024x256xbf16>
      %get3A_391 = vector.shape_cast %get3A_390 : vector<1x1024x256xbf16> to vector<1024x256xbf16>
      %dot_general3A_392 = arith.constant dense<0.000000e+00> : vector<512x256xf32>
      %dot_general3A_393 = tpu.matmul %convert_element_type3A_151, %get3A_391, %dot_general3A_392 {dimension_numbers = #tpu.dot_dimension_numbers<[1], [0], [0], [1], [0, 0, 1, 1], [], []>, transpose_lhs_hint = false} : vector<512x1024xbf16>, vector<1024x256xbf16>, vector<512x256xf32> -> vector<512x256xf32>
      %get3A_394 = arith.constant 5 : index
      %get3A_395 = arith.constant 0 : index
      %get3A_396 = arith.constant 0 : index
      %get3A_397 = vector.load %arg10[%get3A_394, %get3A_395, %get3A_396] : memref<8x1024x256xbf16, #tpu.memory_space<vmem>>, vector<1x1024x256xbf16>
      %get3A_398 = vector.shape_cast %get3A_397 : vector<1x1024x256xbf16> to vector<1024x256xbf16>
      %dot_general3A_399 = arith.constant dense<0.000000e+00> : vector<512x256xf32>
      %dot_general3A_400 = tpu.matmul %convert_element_type3A_151, %get3A_398, %dot_general3A_399 {dimension_numbers = #tpu.dot_dimension_numbers<[1], [0], [0], [1], [0, 0, 1, 1], [], []>, transpose_lhs_hint = false} : vector<512x1024xbf16>, vector<1024x256xbf16>, vector<512x256xf32> -> vector<512x256xf32>
      %neg3A_401 = arith.constant 0.000000e+00 : f32
      %neg3A_402 = vector.broadcast %neg3A_401 : f32 to vector<512x256xf32>
      %neg3A_403 = arith.subf %neg3A_402, %dot_general3A_393 : vector<512x256xf32>
      %exp3A_404 = math.exp %neg3A_403 : vector<512x256xf32>
      %add3A_405 = arith.constant 1.000000e+00 : f32
      %add3A_406 = vector.broadcast %add3A_405 : f32 to vector<512x256xf32>
      %add3A_407 = arith.addf %add3A_406, %exp3A_404 : vector<512x256xf32>
      %div3A_408 = arith.divf %dot_general3A_393, %add3A_407 : vector<512x256xf32>
      %mul3A_409 = arith.mulf %div3A_408, %dot_general3A_400 : vector<512x256xf32>
      %convert_element_type3A_410 = arith.truncf %mul3A_409 : vector<512x256xf32> to vector<512x256xbf16>
      %slice3A_411 = vector.extract_strided_slice %div3A_210 {offsets = [0, 5], sizes = [512, 1], strides = [1, 1]} : vector<512x8xf32> to vector<512x1xf32>
      %get3A_412 = arith.constant 5 : index
      %get3A_413 = arith.constant 0 : index
      %get3A_414 = arith.constant 0 : index
      %get3A_415 = vector.load %arg11[%get3A_412, %get3A_413, %get3A_414] : memref<8x256x1024xbf16, #tpu.memory_space<vmem>>, vector<1x256x1024xbf16>
      %get3A_416 = vector.shape_cast %get3A_415 : vector<1x256x1024xbf16> to vector<256x1024xbf16>
      %dot_general3A_417 = arith.constant dense<0.000000e+00> : vector<512x1024xf32>
      %dot_general3A_418 = tpu.matmul %convert_element_type3A_410, %get3A_416, %dot_general3A_417 {dimension_numbers = #tpu.dot_dimension_numbers<[1], [0], [0], [1], [0, 0, 1, 1], [], []>, transpose_lhs_hint = false} : vector<512x256xbf16>, vector<256x1024xbf16>, vector<512x1024xf32> -> vector<512x1024xf32>
      %mul3A_419 = vector.broadcast %slice3A_411 : vector<512x1xf32> to vector<512x1024xf32>
      %mul3A_420 = arith.mulf %mul3A_419, %dot_general3A_418 : vector<512x1024xf32>
      %add3A_421 = arith.addf %add3A_386, %mul3A_420 : vector<512x1024xf32>
      %get3A_422 = arith.constant 6 : index
      %get3A_423 = arith.constant 0 : index
      %get3A_424 = arith.constant 0 : index
      %get3A_425 = vector.load %arg9[%get3A_422, %get3A_423, %get3A_424] : memref<8x1024x256xbf16, #tpu.memory_space<vmem>>, vector<1x1024x256xbf16>
      %get3A_426 = vector.shape_cast %get3A_425 : vector<1x1024x256xbf16> to vector<1024x256xbf16>
      %dot_general3A_427 = arith.constant dense<0.000000e+00> : vector<512x256xf32>
      %dot_general3A_428 = tpu.matmul %convert_element_type3A_151, %get3A_426, %dot_general3A_427 {dimension_numbers = #tpu.dot_dimension_numbers<[1], [0], [0], [1], [0, 0, 1, 1], [], []>, transpose_lhs_hint = false} : vector<512x1024xbf16>, vector<1024x256xbf16>, vector<512x256xf32> -> vector<512x256xf32>
      %get3A_429 = arith.constant 6 : index
      %get3A_430 = arith.constant 0 : index
      %get3A_431 = arith.constant 0 : index
      %get3A_432 = vector.load %arg10[%get3A_429, %get3A_430, %get3A_431] : memref<8x1024x256xbf16, #tpu.memory_space<vmem>>, vector<1x1024x256xbf16>
      %get3A_433 = vector.shape_cast %get3A_432 : vector<1x1024x256xbf16> to vector<1024x256xbf16>
      %dot_general3A_434 = arith.constant dense<0.000000e+00> : vector<512x256xf32>
      %dot_general3A_435 = tpu.matmul %convert_element_type3A_151, %get3A_433, %dot_general3A_434 {dimension_numbers = #tpu.dot_dimension_numbers<[1], [0], [0], [1], [0, 0, 1, 1], [], []>, transpose_lhs_hint = false} : vector<512x1024xbf16>, vector<1024x256xbf16>, vector<512x256xf32> -> vector<512x256xf32>
      %neg3A_436 = arith.constant 0.000000e+00 : f32
      %neg3A_437 = vector.broadcast %neg3A_436 : f32 to vector<512x256xf32>
      %neg3A_438 = arith.subf %neg3A_437, %dot_general3A_428 : vector<512x256xf32>
      %exp3A_439 = math.exp %neg3A_438 : vector<512x256xf32>
      %add3A_440 = arith.constant 1.000000e+00 : f32
      %add3A_441 = vector.broadcast %add3A_440 : f32 to vector<512x256xf32>
      %add3A_442 = arith.addf %add3A_441, %exp3A_439 : vector<512x256xf32>
      %div3A_443 = arith.divf %dot_general3A_428, %add3A_442 : vector<512x256xf32>
      %mul3A_444 = arith.mulf %div3A_443, %dot_general3A_435 : vector<512x256xf32>
      %convert_element_type3A_445 = arith.truncf %mul3A_444 : vector<512x256xf32> to vector<512x256xbf16>
      %slice3A_446 = vector.extract_strided_slice %div3A_210 {offsets = [0, 6], sizes = [512, 1], strides = [1, 1]} : vector<512x8xf32> to vector<512x1xf32>
      %get3A_447 = arith.constant 6 : index
      %get3A_448 = arith.constant 0 : index
      %get3A_449 = arith.constant 0 : index
      %get3A_450 = vector.load %arg11[%get3A_447, %get3A_448, %get3A_449] : memref<8x256x1024xbf16, #tpu.memory_space<vmem>>, vector<1x256x1024xbf16>
      %get3A_451 = vector.shape_cast %get3A_450 : vector<1x256x1024xbf16> to vector<256x1024xbf16>
      %dot_general3A_452 = arith.constant dense<0.000000e+00> : vector<512x1024xf32>
      %dot_general3A_453 = tpu.matmul %convert_element_type3A_445, %get3A_451, %dot_general3A_452 {dimension_numbers = #tpu.dot_dimension_numbers<[1], [0], [0], [1], [0, 0, 1, 1], [], []>, transpose_lhs_hint = false} : vector<512x256xbf16>, vector<256x1024xbf16>, vector<512x1024xf32> -> vector<512x1024xf32>
      %mul3A_454 = vector.broadcast %slice3A_446 : vector<512x1xf32> to vector<512x1024xf32>
      %mul3A_455 = arith.mulf %mul3A_454, %dot_general3A_453 : vector<512x1024xf32>
      %add3A_456 = arith.addf %add3A_421, %mul3A_455 : vector<512x1024xf32>
      %get3A_457 = arith.constant 7 : index
      %get3A_458 = arith.constant 0 : index
      %get3A_459 = arith.constant 0 : index
      %get3A_460 = vector.load %arg9[%get3A_457, %get3A_458, %get3A_459] : memref<8x1024x256xbf16, #tpu.memory_space<vmem>>, vector<1x1024x256xbf16>
      %get3A_461 = vector.shape_cast %get3A_460 : vector<1x1024x256xbf16> to vector<1024x256xbf16>
      %dot_general3A_462 = arith.constant dense<0.000000e+00> : vector<512x256xf32>
      %dot_general3A_463 = tpu.matmul %convert_element_type3A_151, %get3A_461, %dot_general3A_462 {dimension_numbers = #tpu.dot_dimension_numbers<[1], [0], [0], [1], [0, 0, 1, 1], [], []>, transpose_lhs_hint = false} : vector<512x1024xbf16>, vector<1024x256xbf16>, vector<512x256xf32> -> vector<512x256xf32>
      %get3A_464 = arith.constant 7 : index
      %get3A_465 = arith.constant 0 : index
      %get3A_466 = arith.constant 0 : index
      %get3A_467 = vector.load %arg10[%get3A_464, %get3A_465, %get3A_466] : memref<8x1024x256xbf16, #tpu.memory_space<vmem>>, vector<1x1024x256xbf16>
      %get3A_468 = vector.shape_cast %get3A_467 : vector<1x1024x256xbf16> to vector<1024x256xbf16>
      %dot_general3A_469 = arith.constant dense<0.000000e+00> : vector<512x256xf32>
      %dot_general3A_470 = tpu.matmul %convert_element_type3A_151, %get3A_468, %dot_general3A_469 {dimension_numbers = #tpu.dot_dimension_numbers<[1], [0], [0], [1], [0, 0, 1, 1], [], []>, transpose_lhs_hint = false} : vector<512x1024xbf16>, vector<1024x256xbf16>, vector<512x256xf32> -> vector<512x256xf32>
      %neg3A_471 = arith.constant 0.000000e+00 : f32
      %neg3A_472 = vector.broadcast %neg3A_471 : f32 to vector<512x256xf32>
      %neg3A_473 = arith.subf %neg3A_472, %dot_general3A_463 : vector<512x256xf32>
      %exp3A_474 = math.exp %neg3A_473 : vector<512x256xf32>
      %add3A_475 = arith.constant 1.000000e+00 : f32
      %add3A_476 = vector.broadcast %add3A_475 : f32 to vector<512x256xf32>
      %add3A_477 = arith.addf %add3A_476, %exp3A_474 : vector<512x256xf32>
      %div3A_478 = arith.divf %dot_general3A_463, %add3A_477 : vector<512x256xf32>
      %mul3A_479 = arith.mulf %div3A_478, %dot_general3A_470 : vector<512x256xf32>
      %convert_element_type3A_480 = arith.truncf %mul3A_479 : vector<512x256xf32> to vector<512x256xbf16>
      %slice3A_481 = vector.extract_strided_slice %div3A_210 {offsets = [0, 7], sizes = [512, 1], strides = [1, 1]} : vector<512x8xf32> to vector<512x1xf32>
      %get3A_482 = arith.constant 7 : index
      %get3A_483 = arith.constant 0 : index
      %get3A_484 = arith.constant 0 : index
      %get3A_485 = vector.load %arg11[%get3A_482, %get3A_483, %get3A_484] : memref<8x256x1024xbf16, #tpu.memory_space<vmem>>, vector<1x256x1024xbf16>
      %get3A_486 = vector.shape_cast %get3A_485 : vector<1x256x1024xbf16> to vector<256x1024xbf16>
      %dot_general3A_487 = arith.constant dense<0.000000e+00> : vector<512x1024xf32>
      %dot_general3A_488 = tpu.matmul %convert_element_type3A_480, %get3A_486, %dot_general3A_487 {dimension_numbers = #tpu.dot_dimension_numbers<[1], [0], [0], [1], [0, 0, 1, 1], [], []>, transpose_lhs_hint = false} : vector<512x256xbf16>, vector<256x1024xbf16>, vector<512x1024xf32> -> vector<512x1024xf32>
      %mul3A_489 = vector.broadcast %slice3A_481 : vector<512x1xf32> to vector<512x1024xf32>
      %mul3A_490 = arith.mulf %mul3A_489, %dot_general3A_488 : vector<512x1024xf32>
      %add3A_491 = arith.addf %add3A_456, %mul3A_490 : vector<512x1024xf32>
      %add3A_492 = arith.addf %add3A_134, %add3A_491 : vector<512x1024xf32>
      %get3A_493 = arith.constant 0 : index
      %get3A_494 = arith.constant 0 : index
      %get3A_495 = vector.load %arg12[%get3A_493, %get3A_494] : memref<1x1024xf32, #tpu.memory_space<vmem>>, vector<1x1024xf32>
      %mul3A_496 = arith.mulf %add3A_492, %add3A_492 : vector<512x1024xf32>
      %reduce_sum3A_497 = arith.constant dense<0.000000e+00> : vector<512xf32>
      %reduce_sum3A_498 = vector.multi_reduction <add>, %mul3A_496, %reduce_sum3A_497 [1] : vector<512x1024xf32> to vector<512xf32>
      %broadcast_in_dim3A_499 = vector.shape_cast %reduce_sum3A_498 : vector<512xf32> to vector<512x1xf32>
      %div3A_500 = arith.constant 1.024000e+03 : f32
      %div3A_501 = vector.broadcast %div3A_500 : f32 to vector<512x1xf32>
      %div3A_502 = arith.divf %broadcast_in_dim3A_499, %div3A_501 : vector<512x1xf32>
      %add3A_503 = arith.constant 9.99999997E-7 : f32
      %add3A_504 = vector.broadcast %add3A_503 : f32 to vector<512x1xf32>
      %add3A_505 = arith.addf %div3A_502, %add3A_504 : vector<512x1xf32>
      %rsqrt3A_506 = math.rsqrt %add3A_505 : vector<512x1xf32>
      %mul3A_507 = vector.broadcast %rsqrt3A_506 : vector<512x1xf32> to vector<512x1024xf32>
      %mul3A_508 = arith.mulf %add3A_492, %mul3A_507 : vector<512x1024xf32>
      %mul3A_509 = vector.broadcast %get3A_495 : vector<1x1024xf32> to vector<512x1024xf32>
      %mul3A_510 = arith.mulf %mul3A_508, %mul3A_509 : vector<512x1024xf32>
      %swap3A_511 = arith.constant 0 : index
      %swap3A_512 = arith.constant 0 : index
      %swap3A_513 = vector.load %arg13[%swap3A_511, %swap3A_512] : memref<512x1024xf32, #tpu.memory_space<vmem>>, vector<512x1024xf32>
      tpu.vector_store %arg13[%swap3A_511, %swap3A_512], %mul3A_510 {strides = array<i32>} : memref<512x1024xf32, #tpu.memory_space<vmem>>, vector<512x1024xf32>,
    } else {
    }
    return
  }
  func.func @transform_0(%arg0: i32, %arg1: i32) -> (i32, i32, i32) {
    %c0_i32 = arith.constant 0 : i32
    %c0_i32_0 = arith.constant 0 : i32
    return %arg1, %c0_i32, %arg0 : i32, i32, i32
  }
  func.func @transform_1(%arg0: i32, %arg1: i32) -> (i32, i32, i32) {
    %c0_i32 = arith.constant 0 : i32
    %c0_i32_0 = arith.constant 0 : i32
    %c0_i32_1 = arith.constant 0 : i32
    %c0_i32_2 = arith.constant 0 : i32
    return %c0_i32, %c0_i32_0, %c0_i32_1 : i32, i32, i32
  }
  func.func @transform_2(%arg0: i32, %arg1: i32) -> (i32, i32, i32) {
    %c0_i32 = arith.constant 0 : i32
    %c0_i32_0 = arith.constant 0 : i32
    %c0_i32_1 = arith.constant 0 : i32
    %c0_i32_2 = arith.constant 0 : i32
    return %c0_i32, %c0_i32_0, %c0_i32_1 : i32, i32, i32
  }
  func.func @transform_3(%arg0: i32, %arg1: i32) -> (i32, i32) {
    %c0_i32 = arith.constant 0 : i32
    %c0_i32_0 = arith.constant 0 : i32
    return %arg0, %c0_i32 : i32, i32
  }
  func.func @transform_4(%arg0: i32, %arg1: i32) -> (i32, i32) {
    %c0_i32 = arith.constant 0 : i32
    %c0_i32_0 = arith.constant 0 : i32
    %c0_i32_1 = arith.constant 0 : i32
    return %c0_i32, %c0_i32_0 : i32, i32
  }
  func.func @transform_5(%arg0: i32, %arg1: i32) -> (i32, i32) {
    %c0_i32 = arith.constant 0 : i32
    %c0_i32_0 = arith.constant 0 : i32
    %c0_i32_1 = arith.constant 0 : i32
    return %c0_i32, %c0_i32_0 : i32, i32
  }
  func.func @transform_6(%arg0: i32, %arg1: i32) -> (i32, i32) {
    %c0_i32 = arith.constant 0 : i32
    %c0_i32_0 = arith.constant 0 : i32
    %c0_i32_1 = arith.constant 0 : i32
    return %c0_i32, %c0_i32_0 : i32, i32
  }
  func.func @transform_7(%arg0: i32, %arg1: i32) -> (i32, i32, i32) {
    %c0_i32 = arith.constant 0 : i32
    %c0_i32_0 = arith.constant 0 : i32
    %c0_i32_1 = arith.constant 0 : i32
    %c0_i32_2 = arith.constant 0 : i32
    return %c0_i32, %c0_i32_0, %c0_i32_1 : i32, i32, i32
  }
  func.func @transform_8(%arg0: i32, %arg1: i32) -> (i32, i32, i32) {
    %c0_i32 = arith.constant 0 : i32
    %c0_i32_0 = arith.constant 0 : i32
    %c0_i32_1 = arith.constant 0 : i32
    %c0_i32_2 = arith.constant 0 : i32
    return %c0_i32, %c0_i32_0, %c0_i32_1 : i32, i32, i32
  }
  func.func @transform_9(%arg0: i32, %arg1: i32) -> (i32, i32, i32) {
    %c0_i32 = arith.constant 0 : i32
    %c0_i32_0 = arith.constant 0 : i32
    %c0_i32_1 = arith.constant 0 : i32
    %c0_i32_2 = arith.constant 0 : i32
    return %c0_i32, %c0_i32_0, %c0_i32_1 : i32, i32, i32
  }
  func.func @transform_10(%arg0: i32, %arg1: i32) -> (i32, i32) {
    %c0_i32 = arith.constant 0 : i32
    %c0_i32_0 = arith.constant 0 : i32
    %c0_i32_1 = arith.constant 0 : i32
    return %c0_i32, %c0_i32_0 : i32, i32
  }
  func.func @transform_11(%arg0: i32, %arg1: i32) -> (i32, i32) {
    %c0_i32 = arith.constant 0 : i32
    %c0_i32_0 = arith.constant 0 : i32
    return %arg0, %c0_i32 : i32, i32
  }
}

</mosaic_0001>

<sc_bundles>
// kernel: kernel.5.cloned.1.call-start
scs
__scs_entry_jumppad:
0x0: {  	(pc) =	sbr.rel $0x88, $3  }
0x1: {  	(tag) =	ssettag $0x0;
	lr =	simm.s32 $0x1  }
0x2: {  	[smem:$0x3F8F] =	sst lr;
	_ =	strace $0xD0000000  }
0x3: {  	_ = 	snop  }
0x4: {  	_ = 	snop  }
0x5: {  	_ = 	snop  }
0x6: {  	_ = 	snop  }
0x7: {  	_ = 	snop  }
__scs_overlays_trampoline_lowered:
0x8: {  	[smem:$0x3F9E] =	sst s0  }
0x9: {  	[smem:$0x3F9F] =	sst s1  }
0xa: {  	[smem:$0x3FA0] =	sst s2  }
0xb: {  	[smem:$0x3FA1] =	sst s3  }
0xc: {  	[smem:$0x3FA2] =	sst s4  }
0xd: {  	[smem:$0x3FA3] =	sst s5  }
0xe: {  	[smem:$0x3FA4] =	sst s6  }
0xf: {  	[smem:$0x3FA5] =	sst s7  }
0x10: {  	[smem:$0x3FA6] =	sst s8  }
0x11: {  	[smem:$0x3FA7] =	sst s9;
	s0 =	simm.s32 @!p0 $0x0  }
0x12: {  	s1 =	sld [smem:$0x3F8D];
	s0 =	simm.s32 @p0 $0x1  }
0x13: {  	[smem:$0x3FA8] =	sst s0;
	s0 =	simm.s32 @!p1 $0x0  }
0x14: {  	s2 =	sld [smem:$0x3F8C];
	s0 =	simm.s32 @p1 $0x1  }
0x15: {  	[smem:$0x3FA9] =	sst s0;
	s0 =	simm.s32 @!p2 $0x0  }
0x16: {  	s3 =	sld [smem:$0x3FDB];
	s0 =	simm.s32 @p2 $0x1  }
0x17: {  	s4 =	simm.s32 $0x1BF5;
	[smem:$0x3FAB] =	sst s0  }
0x18: {  	s0 =	sld [smem:$0x3F8E];
	_ =	swait.ge [sflag:s4], $0x0  }
0x19: {  	s7 =	sld [smem:$0x3F8F]  }
0x1a: {  	s8 =	sadd.s32 $0xFFFFE003, lr  }
0x1b: {  	s9 =	sadd.s32 $0xFFFFFEF7, lr;
	s5 =	simm.s32 $0xFFFFFFFF;
	p2 =	slt.u32 s8, $0xFFFFF086  }
0x1c: {  	p1 =	slt.u32 s9, $0xF7A;
	s5 =	simm.s32 @!p2 $0x0  }
0x1d: {  	s5 =	simm.s32 @p1 $0x1;
	p0 =	seq.s32 s7, s2  }
0x1e: {  	s7 =	smul.u32 @!p0 $0xF7A, s2;
	p2 =	seq.s32 @!p0 s5, $0x0  }
0x1f: {  	s9 =	smul.u32 $0xF7A, s1;
	s8 =	simm.s32 @!p0 $0x1BF5;
	p2 =	por !p2, p0  }
0x20: {  	[sflag:s8] =	ssyncset.s32 @!p0 $0xFFFFF086;
	s6 =	sadd.s32 @!p0 s3, s7;
	s7 =	simm.s32 @!p0 $0x108  }
0x21: {  	s3 =	sadd.s32 s3, s9;
	s6 =	sadd.s32 @!p0 $0x88, s6;
	s7 =	simm.s32 @p2 $0x1082  }
0x22: {  	[simem:s7], [sflag:s8] =	dma.local @!p0 [hbm:s6], $0xF7A  }
0x23: {  	s9 =	sor.u32 $0xD0000000, s2;
	s6 =	simm.s32 $0x108;
	_ =	swait.ge @!p0 [sflag:s8], $0x0  }
0x24: {  	s3 =	sadd.s32 $0x88, s3;
	s6 =	simm.s32 @!p1 $0x1082;
	[sflag:s4] =	ssyncset.s32 $0xFFFFF086  }
0x25: {  	[simem:s6], [sflag:s4] =	dma.local [hbm:s3], $0xF7A  }
0x26: {  	[smem:$0x3F8F] =	sst s1;
	(tag) =	ssettag s2;
	_ =	strace s9  }
0x27: {  	s1 =	sld [smem:$0x3F9F]  }
0x28: {  	s2 =	sld [smem:$0x3FA0]  }
0x29: {  	s4 =	sld [smem:$0x3FA2]  }
0x2a: {  	p0 =	seq.s32 s5, $0x0;
	s5 =	sld [smem:$0x3FA3]  }
0x2b: {  	s6 =	sld [smem:$0x3FA4]  }
0x2c: {  	s7 =	sld [smem:$0x3FA5]  }
0x2d: {  	s3 =	simm.s32 $0x108;
	s8 =	sld [smem:$0x3FA6]  }
0x2e: {  	s3 =	simm.s32 @!p0 $0x1082;
	s9 =	sld [smem:$0x3FA7]  }
0x2f: {  	lr =	sadd.s32 s0, s3;
	s0 =	sld [smem:$0x3F9E]  }
0x30: {  	s3 =	sld [smem:$0x3FA1]  }
0x31: {  	[smem:$0x3FAA] =	sst s10  }
0x32: {  	s10 =	sld [smem:$0x3FA8];
	_ =	sdelay $0x3  }
0x33: {  	p0 =	seq.s32 s10, $0x1;
	s10 =	sld [smem:$0x3FAA];
	_ =	sdelay $0x3  }
0x34: {  	[smem:$0x3FAA] =	sst s10  }
0x35: {  	s10 =	sld [smem:$0x3FA9];
	_ =	sdelay $0x3  }
0x36: {  	p1 =	seq.s32 s10, $0x1;
	s10 =	sld [smem:$0x3FAA];
	_ =	sdelay $0x3  }
0x37: {  	[smem:$0x3FAA] =	sst s10  }
0x38: {  	s10 =	sld [smem:$0x3FAB]  }
0x39: {  	_ = 	snop;
	(pc) =	sbr.ind lr, $3  }
0x3a: {  	_ = 	snop  }
0x3b: {  	_ = 	snop  }
0x3c: {  	p2 =	seq.s32 s10, $0x1;
	s10 =	sld [smem:$0x3FAA]  }
0x3d: {  	_ =	shalt  }
0x3e: {  	_ =	shalt  }
0x3f: {  	_ =	shalt  }
0x40: {  	_ =	shalt  }
0x41: {  	_ =	shalt  }
0x42: {  	_ =	shalt  }
0x43: {  	_ =	shalt  }
0x44: {  	_ =	shalt  }
0x45: {  	_ =	shalt  }
0x46: {  	_ =	shalt  }
0x47: {  	_ =	shalt  }
0x48: {  	_ =	shalt  }
0x49: {  	_ =	shalt  }
0x4a: {  	_ =	shalt  }
0x4b: {  	_ =	shalt  }
0x4c: {  	_ =	shalt  }
0x4d: {  	_ =	shalt  }
0x4e: {  	_ =	shalt  }
0x4f: {  	_ =	shalt  }
0x50: {  	_ =	shalt  }
0x51: {  	_ =	shalt  }
0x52: {  	_ =	shalt  }
0x53: {  	_ =	shalt  }
0x54: {  	_ =	shalt  }
0x55: {  	_ =	shalt  }
0x56: {  	_ =	shalt  }
0x57: {  	_ =	shalt  }
0x58: {  	_ =	shalt  }
0x59: {  	_ =	shalt  }
0x5a: {  	_ =	shalt  }
0x5b: {  	_ =	shalt  }
0x5c: {  	_ =	shalt  }
0x5d: {  	_ =	shalt  }
0x5e: {  	_ =	shalt  }
0x5f: {  	_ =	shalt  }
0x60: {  	_ =	shalt  }
0x61: {  	_ =	shalt  }
0x62: {  	_ =	shalt  }
0x63: {  	_ =	shalt  }
0x64: {  	_ =	shalt  }
0x65: {  	_ =	shalt  }
0x66: {  	_ =	shalt  }
0x67: {  	_ =	shalt  }
0x68: {  	_ =	shalt  }
0x69: {  	_ =	shalt  }
0x6a: {  	_ =	shalt  }
0x6b: {  	_ =	shalt  }
0x6c: {  	_ =	shalt  }
0x6d: {  	_ =	shalt  }
0x6e: {  	_ =	shalt  }
0x6f: {  	_ =	shalt  }
0x70: {  	_ =	shalt  }
0x71: {  	_ =	shalt  }
0x72: {  	_ =	shalt  }
0x73: {  	_ =	shalt  }
0x74: {  	_ =	shalt  }
0x75: {  	_ =	shalt  }
0x76: {  	_ =	shalt  }
0x77: {  	_ =	shalt  }
0x78: {  	_ =	shalt  }
0x79: {  	_ =	shalt  }
0x7a: {  	_ =	shalt  }
0x7b: {  	_ =	shalt  }
0x7c: {  	_ =	shalt  }
0x7d: {  	_ =	shalt  }
0x7e: {  	_ =	shalt  }
0x7f: {  	_ =	shalt  }
0x80: {  	_ =	shalt  }
0x81: {  	_ =	shalt  }
0x82: {  	_ =	shalt  }
0x83: {  	_ =	shalt  }
0x84: {  	_ =	shalt  }
0x85: {  	_ =	shalt  }
0x86: {  	_ =	shalt  }
0x87: {  	_ =	shalt  }
.Lfunc_end0:
.L_simem_size_0:
called_computation_lowered:
.L_overlay_start_0:
0x88: {  	s2 =	sld [smem:$0x3FD9]  }
0x89: {  	s3 =	sld [smem:$0x3FFE];
	_ =	sdelay $0x1  }
0x8a: {  	s1 =	srdreg.scid  }
0x8b: {  	s0 =	sand.u32 $0x1, s1  }
0x8c: {  	s18 =	sshll.u32 s0, $0xA;
	s2 =	sadd.s32 s3, s2  }
0x8d: {  	s2 =	sadd.s32 s2, s18  }
0x8e: {  	[smem:$0x3FB6] =	sst s2  }
0x8f: {  	_ = 	snop  }
0x90: {  	s2 =	sld [smem:$0x3FC9]  }
0x91: {  	s19 =	sld [smem:$0x3FC6]  }
0x92: {  	s4 =	sld [smem:$0x3FD0];
	(tm) =	ssettm $0x1  }
0x93: {  	s5 =	sld [smem:$0x3FFB];
	_ =	sdelay $0x3  }
0x94: {  	_ =	strace s5  }
0x95: {  	s5 =	sld [smem:$0x3FFC];
	_ =	sdelay $0x3  }
0x96: {  	_ =	strace s5  }
0x97: {  	s5 =	sld [smem:$0x3FFD];
	_ =	sdelay $0x3  }
0x98: {  	_ =	strace s5  }
0x99: {  	_ =	strace $0x8FFFFFFF  }
0x9a: {  	s20 =	sld [smem:$0x3FDB];
	_ =	sdelay $0x1  }
0x9b: {  	s6 =	simm.s32 $_scs_section_size  }
0x9c: {  	s7 =	simm.s32 $_size__tile_overlayer_lowered;
	s8 =	simm.s32 $_tile_overlayer_lowered  }
0x9d: {  	s23 =	simm.s32 $0x1BFF;
	s22 =	sshll.u32 s8, $0x1;
	s5 =	sadd.s32 s6, s20  }
0x9e: {  	s9 =	simm.s32 $0x0;
	s21 =	sshll.u32 s7, $0x1;
	s7 =	sadd.s32 s22, s5  }
0x9f: {  	[timem:s9], [sflag:s23] =	dma.local [hbm:s7], s21  }
0xa0: {  	_ =	swait.ge [sflag:s23], s21  }
0xa1: {  	s6 =	ssub.s32 $0x0, s21;
	[sflag:s23] =	ssyncset.done $0x0  }
0xa2: {  	[sflag:s23] =	ssyncadd.s32 s6;
	_ =	sdelay $0x1  }
0xa3: {  	s24 =	simm.s32 $0x1B8B  }
0xa4: {  	_ =	swait.ge [sflag:s24], $0x1  }
0xa5: {  	[sflag:s24] =	ssyncset.done $0x0  }
0xa6: {  	s25 =	simm.s32 $0x1B8E;
	[sflag:s24] =	ssyncadd.s32 $0xFFFFFFFF  }
0xa7: {  	s26 =	simm.s32 $execute0_lowered;
	[smem:$0x3FD2] =	sst s25  }
0xa8: {  	s6 =	sshll.u32 s26, $0x1;
	_ =	strace $0x80000046;
	[dreg:$0x1] =	wrdreg $0xFFFFFFFF  }
0xa9: {  	s28 =	simm.s32 $_size_execute0_lowered;
	s5 =	sadd.s32 s5, s6;
	[dreg:$0x0] =	wrdreg $0x0  }
0xaa: {  	s6 =	sshll.u32 s28, $0x1;
	[dreg:$0x2] =	wrdreg s5  }
0xab: {  	[dreg:$0x3] =	wrdreg s6  }
0xac: {  	[dreg:$0x4] =	wrdreg $0xC0  }
0xad: {  	_ =	task [dreg:s9], $0x5FFFF  }
0xae: {  	[dreg:$0x1] =	wrdreg $0xFFFFFFFF  }
0xaf: {  	[dreg:$0x0] =	wrdreg $0x60  }
0xb0: {  	[dreg:$0x2] =	wrdreg s19  }
0xb1: {  	[dreg:$0x3] =	wrdreg s2  }
0xb2: {  	[dreg:$0x4] =	wrdreg s4  }
0xb3: {  	[dreg:$0x5] =	wrdreg $0x9  }
0xb4: {  	_ =	task.clear_ibuf [dreg:s9], $0x6FFFF;
	_ =	strace $0x90000046  }
0xb5: {  	s29 =	simm.s32 $0x9;
	_ =	strace $0x80000048  }
0xb6: {  	_ =	swait.ge [sflag:s29], $0x1  }
0xb7: {  	[sflag:s29] =	ssyncadd.s32 $0xFFFFFFFF  }
0xb8: {  	_ =	strace $0x90000048  }
0xb9: {  	_ =	sfence  }
0xba: {  	s30 =	sld [smem:$0x0];
	_ =	sdelay $0x2  }
0xbb: {  	s31 =	sshll.u32 s1, $0xD;
	s1 =	sshrl.u32 s1, $0x2  }
0xbc: {  	s3 =	sand.u32 $0x4000, s31;
	s1 =	sadd.s32 s1, s30  }
0xbd: {  	s0 =	sor.u32 s3, s0;
	s1 =	sshll.u32 s1, $0x11  }
0xbe: {  	s0 =	sor.u32 s1, s0  }
0xbf: {  	s0 =	sadd.s32 $0x8F2B, s0  }
0xc0: {  	[sflag:s0] =	ssyncadd.remote.s32 $0x1  }
0xc1: {  	_ =	sfence.sel $0xFFFF  }
0xc2: {  	[dreg:$0x0] =	wrdreg $0xFFFFFFFF;
	(pc) =	sbr.abs _section_cstart, $3  }
0xc3: {  	[dreg:$0x1] =	wrdreg $0xFFFFFFFF  }
0xc4: {  	_ =	task.clear_ibuf [dreg:s9], $0x2FFFF;
	_ =	strace $0x9FFFFFFF  }
0xc5: {  	(tm) =	ssettm $0x7FFFFFFF  }
tec
execute0_lowered:
.L_overlay_start_1:
0x0: {  	(tag) =	ssettag $0x1  }
0x1: {  	s1 =	rddreg [dreg:$0x0]  }
0x2: {  	s2 =	srdreg.scid;
	s4 =	rddreg [dreg:$0x1]  }
0x3: {  	s0 =	stileid.u32;
	s5 =	rddreg [dreg:$0x2]  }
0x4: {  	s3 =	simm.s32 $0x0;
	s17 =	simm.s32 $0x880;
	s18 =	simm.s32 $0x1080  }
0x5: {  	s19 =	simm.s32 $0x1880;
	s21 =	simm.s32 $0x2080;
	s22 =	simm.s32 $0x2880  }
0x6: {  	s23 =	simm.s32 $0x3080;
	s24 =	simm.s32 $0x3880;
	[smem:$0x7FF] =	sst s3  }
0x7: {  	s8 =	simm.s32 $0x4080;
	_ =	strace $0x80000047;
	[dreg:$0x6] =	wrdreg s17  }
0x8: {  	s25 =	simm.s32 $0x4880;
	s26 =	simm.s32 $0x5080;
	[dreg:$0x7] =	wrdreg s18  }
0x9: {  	s9 =	simm.s32 $0x80;
	s11 =	simm.s32 $0x6080;
	[dreg:$0x8] =	wrdreg s19  }
0xa: {  	s12 =	simm.s32 $0x6880;
	s13 =	simm.s32 $0x7080;
	[dreg:$0x9] =	wrdreg s21  }
0xb: {  	s14 =	simm.s32 $0x7880;
	s15 =	simm.s32 $0x8080;
	[dreg:$0xa] =	wrdreg s22  }
0xc: {  	s28 =	simm.s32 $0xE080;
	s29 =	simm.s32 $0xE880;
	[dreg:$0xb] =	wrdreg s23  }
0xd: {  	s30 =	simm.s32 $0xF080;
	s31 =	simm.s32 $0xF880;
	[dreg:$0xc] =	wrdreg s24  }
0xe: {  	s2 =	sand.u32 $0x1, s2;
	s6 =	sshll.u32 s0, $0x7;
	[dreg:$0xd] =	wrdreg s8  }
0xf: {  	s7 =	sshll.u32 s2, $0x6;
	s2 =	ssub.s32 $0x2, s2;
	[dreg:$0xe] =	wrdreg s25  }
0x10: {  	s8 =	simm.s32 $0x2;
	[dreg:$0xf] =	wrdreg s26;
	s17 =	simm.s32 $0x9080  }
0x11: {  	s18 =	simm.s32 $0x9880;
	s19 =	simm.s32 $0xA080;
	s21 =	simm.s32 $0xB080  }
0x12: {  	s22 =	simm.s32 $0xB880;
	s23 =	simm.s32 $0xC080;
	s24 =	simm.s32 $0xC880  }
0x13: {  	s25 =	simm.s32 $0xD080;
	s26 =	simm.s32 $0xD880;
	s6 =	sor.u32 s7, s6  }
0x14: {  	s20 =	sshrl.u32 s2, $0x1;
	s7 =	sshrl.u32 s6, $0x3;
	s6 =	sshll.u32 s6, $0x7  }
0x15: {  	s2 =	ssub.s32 s2, s20;
	s20 =	simm.s32 $0xA880;
	s4 =	sadd.s32 s4, s7  }
0x16: {  	v2 =	vlaneseq.u32;
	s16 =	sadd.s32 s5, s6;
	s5 =	sadd.s32 $0x200, s1;
	s6 =	sadd.s32 $0x300, s1  }
0x17: {  	vm0 =	vmmov $0xffff;
	v1 =	vshrl.u32 v2, $0x3;
	s7 =	smax.u32 s2, $0x1;
	s2 =	simm.s32 $0x1;
	[dreg:$0x4] =	wrdreg s4  }
0x18: {  	v0 =	vand.u32 $0x7, v2;
	v2 =	vor.u32 $0x8, v2;
	v1 =	vmul.u32 $0x8, v1;
	[dreg:$0x5] =	wrdreg s16;
	s4 =	sadd.s32 $0x100, s1;
	s16 =	simm.s32 $0x8880  }
.LBB2_1:
0x19: {  	s0 =	rddreg [dreg:$0x4]  }
0x1a: {  	[tilespmem:s3], [sflag:$0x2] =	stream.linear.gather [hbm4b:s0+s3], $0x40, $0x38;
	[tilespmem:$0x10080] =	vst v63  }
0x1b: {  	_ =	swait.ge [sflag:s8], $0x40  }
0x1c: {  	[sflag:s8] =	ssyncset.done $0x0  }
0x1d: {  	[sflag:s8] =	ssyncadd.s32 $0xFFFFFFC0  }
0x1e: {  	v3 =	vld [tilespmem:$0x0];
	_ =	sdelay $0x4  }
0x1f: {  	v4 =	vshll.u32 v3, $0x3  }
0x20: {  	v3 =	vand.u32 $0x7, v3;
	v4 =	vand.u32 $0xFFFFFFC0, v4  }
0x21: {  	v3 =	vor.u32 v3, v4  }
0x22: {  	v4 =	vperm.xlane v3, v0;
	_ =	sdelay $0x1  }
0x23: {  	v4 =	vadd.s32 v1, v4;
	_ =	sdelay $0x4  }
0x24: {  	[tilespmem:s9], [sflag:$0x1] =	stream.indirect_vreg.gather [hbm4b:s1+s3], $0x80, v4, vm0, $0xb8;
	[tilespmem:$0x10080] =	vst v63  }
0x25: {  	s0 =	rddreg [dreg:$0x6];
	v3 =	vperm.xlane v3, v2  }
0x26: {  	[tilespmem:s0], [sflag:$0x1] =	stream.indirect_vreg.gather [hbm4b:s4+s3], $0x80, v4, vm0, $0xb8;
	[tilespmem:$0x10080] =	vst v63  }
0x27: {  	s10 =	rddreg [dreg:$0x7];
	v3 =	vadd.s32 v1, v3  }
0x28: {  	[tilespmem:s10], [sflag:$0x1] =	stream.indirect_vreg.gather [hbm4b:s5+s3], $0x80, v4, vm0, $0xb8;
	[tilespmem:$0x10080] =	vst v63  }
0x29: {  	s0 =	rddreg [dreg:$0x8]  }
0x2a: {  	[tilespmem:s0], [sflag:$0x1] =	stream.indirect_vreg.gather [hbm4b:s6+s3], $0x80, v4, vm0, $0xb8;
	[tilespmem:$0x10080] =	vst v63  }
0x2b: {  	s10 =	rddreg [dreg:$0x9]  }
0x2c: {  	[tilespmem:s10], [sflag:$0x1] =	stream.indirect_vreg.gather [hbm4b:s1+s3], $0x80, v3, vm0, $0xb8;
	[tilespmem:$0x10080] =	vst v63  }
0x2d: {  	s0 =	rddreg [dreg:$0xa]  }
0x2e: {  	[tilespmem:s0], [sflag:$0x1] =	stream.indirect_vreg.gather [hbm4b:s4+s3], $0x80, v3, vm0, $0xb8;
	[tilespmem:$0x10080] =	vst v63  }
0x2f: {  	s10 =	rddreg [dreg:$0xb]  }
0x30: {  	[tilespmem:s10], [sflag:$0x1] =	stream.indirect_vreg.gather [hbm4b:s5+s3], $0x80, v3, vm0, $0xb8;
	[tilespmem:$0x10080] =	vst v63  }
0x31: {  	s0 =	rddreg [dreg:$0xc]  }
0x32: {  	[tilespmem:s0], [sflag:$0x1] =	stream.indirect_vreg.gather [hbm4b:s6+s3], $0x80, v3, vm0, $0xb8;
	[tilespmem:$0x10080] =	vst v63  }
0x33: {  	v3 =	vld [tilespmem:$0x10];
	_ =	sdelay $0x4  }
0x34: {  	v61 =	vshll.u32 v3, $0x3  }
0x35: {  	v3 =	vand.u32 $0x7, v3;
	v4 =	vand.u32 $0xFFFFFFC0, v61  }
0x36: {  	v3 =	vor.u32 v3, v4  }
0x37: {  	v4 =	vperm.xlane v3, v0;
	_ =	sdelay $0x1  }
0x38: {  	v4 =	vadd.s32 v1, v4;
	_ =	sdelay $0x3  }
0x39: {  	s0 =	rddreg [dreg:$0xd]  }
0x3a: {  	[tilespmem:s0], [sflag:$0x1] =	stream.indirect_vreg.gather [hbm4b:s1+s3], $0x80, v4, vm0, $0xb8;
	[tilespmem:$0x10080] =	vst v63  }
0x3b: {  	s10 =	rddreg [dreg:$0xe];
	v3 =	vperm.xlane v3, v2  }
0x3c: {  	[tilespmem:s10], [sflag:$0x1] =	stream.indirect_vreg.gather [hbm4b:s4+s3], $0x80, v4, vm0, $0xb8;
	[tilespmem:$0x10080] =	vst v63  }
0x3d: {  	v3 =	vadd.s32 v1, v3;
	s0 =	rddreg [dreg:$0xf]  }
0x3e: {  	[tilespmem:s0], [sflag:$0x1] =	stream.indirect_vreg.gather [hbm4b:s5+s3], $0x80, v4, vm0, $0xb8;
	[tilespmem:$0x10080] =	vst v63  }
0x3f: {  	s10 =	simm.s32 $0x5880  }
0x40: {  	[tilespmem:s10], [sflag:$0x1] =	stream.indirect_vreg.gather [hbm4b:s6+s3], $0x80, v4, vm0, $0xb8;
	[tilespmem:$0x10080] =	vst v63  }
0x41: {  	_ = 	snop  }
0x42: {  	[tilespmem:s11], [sflag:$0x1] =	stream.indirect_vreg.gather [hbm4b:s1+s3], $0x80, v3, vm0, $0xb8;
	[tilespmem:$0x10080] =	vst v63  }
0x43: {  	_ = 	snop  }
0x44: {  	[tilespmem:s12], [sflag:$0x1] =	stream.indirect_vreg.gather [hbm4b:s4+s3], $0x80, v3, vm0, $0xb8;
	[tilespmem:$0x10080] =	vst v63  }
0x45: {  	_ = 	snop  }
0x46: {  	[tilespmem:s13], [sflag:$0x1] =	stream.indirect_vreg.gather [hbm4b:s5+s3], $0x80, v3, vm0, $0xb8;
	[tilespmem:$0x10080] =	vst v63  }
0x47: {  	_ = 	snop  }
0x48: {  	[tilespmem:s14], [sflag:$0x1] =	stream.indirect_vreg.gather [hbm4b:s6+s3], $0x80, v3, vm0, $0xb8;
	[tilespmem:$0x10080] =	vst v63  }
0x49: {  	v3 =	vld [tilespmem:$0x20];
	_ =	sdelay $0x4  }
0x4a: {  	v62 =	vshll.u32 v3, $0x3  }
0x4b: {  	v3 =	vand.u32 $0x7, v3;
	v4 =	vand.u32 $0xFFFFFFC0, v62  }
0x4c: {  	v3 =	vor.u32 v3, v4  }
0x4d: {  	v4 =	vperm.xlane v3, v0;
	_ =	sdelay $0x1  }
0x4e: {  	v4 =	vadd.s32 v1, v4;
	_ =	sdelay $0x4  }
0x4f: {  	[tilespmem:s15], [sflag:$0x1] =	stream.indirect_vreg.gather [hbm4b:s1+s3], $0x80, v4, vm0, $0xb8;
	[tilespmem:$0x10080] =	vst v63  }
0x50: {  	v3 =	vperm.xlane v3, v2  }
0x51: {  	[tilespmem:s16], [sflag:$0x1] =	stream.indirect_vreg.gather [hbm4b:s4+s3], $0x80, v4, vm0, $0xb8;
	[tilespmem:$0x10080] =	vst v63  }
0x52: {  	v3 =	vadd.s32 v1, v3  }
0x53: {  	[tilespmem:s17], [sflag:$0x1] =	stream.indirect_vreg.gather [hbm4b:s5+s3], $0x80, v4, vm0, $0xb8;
	[tilespmem:$0x10080] =	vst v63  }
0x54: {  	_ = 	snop  }
0x55: {  	[tilespmem:s18], [sflag:$0x1] =	stream.indirect_vreg.gather [hbm4b:s6+s3], $0x80, v4, vm0, $0xb8;
	[tilespmem:$0x10080] =	vst v63  }
0x56: {  	_ = 	snop  }
0x57: {  	[tilespmem:s19], [sflag:$0x1] =	stream.indirect_vreg.gather [hbm4b:s1+s3], $0x80, v3, vm0, $0xb8;
	[tilespmem:$0x10080] =	vst v63  }
0x58: {  	_ = 	snop  }
0x59: {  	[tilespmem:s20], [sflag:$0x1] =	stream.indirect_vreg.gather [hbm4b:s4+s3], $0x80, v3, vm0, $0xb8;
	[tilespmem:$0x10080] =	vst v63  }
0x5a: {  	_ = 	snop  }
0x5b: {  	[tilespmem:s21], [sflag:$0x1] =	stream.indirect_vreg.gather [hbm4b:s5+s3], $0x80, v3, vm0, $0xb8;
	[tilespmem:$0x10080] =	vst v63  }
0x5c: {  	_ = 	snop  }
0x5d: {  	[tilespmem:s22], [sflag:$0x1] =	stream.indirect_vreg.gather [hbm4b:s6+s3], $0x80, v3, vm0, $0xb8;
	[tilespmem:$0x10080] =	vst v63  }
0x5e: {  	v3 =	vld [tilespmem:$0x30];
	_ =	sdelay $0x4  }
0x5f: {  	v63 =	vshll.u32 v3, $0x3  }
0x60: {  	v3 =	vand.u32 $0x7, v3;
	v4 =	vand.u32 $0xFFFFFFC0, v63  }
0x61: {  	v3 =	vor.u32 v3, v4  }
0x62: {  	v4 =	vperm.xlane v3, v0;
	_ =	sdelay $0x1  }
0x63: {  	v4 =	vadd.s32 v1, v4;
	_ =	sdelay $0x4  }
0x64: {  	[tilespmem:s23], [sflag:$0x1] =	stream.indirect_vreg.gather [hbm4b:s1+s3], $0x80, v4, vm0, $0xb8;
	[tilespmem:$0x10080] =	vst v63  }
0x65: {  	v3 =	vperm.xlane v3, v2  }
0x66: {  	[tilespmem:s24], [sflag:$0x1] =	stream.indirect_vreg.gather [hbm4b:s4+s3], $0x80, v4, vm0, $0xb8;
	[tilespmem:$0x10080] =	vst v63  }
0x67: {  	v3 =	vadd.s32 v1, v3  }
0x68: {  	[tilespmem:s25], [sflag:$0x1] =	stream.indirect_vreg.gather [hbm4b:s5+s3], $0x80, v4, vm0, $0xb8;
	[tilespmem:$0x10080] =	vst v63  }
0x69: {  	_ = 	snop  }
0x6a: {  	[tilespmem:s26], [sflag:$0x1] =	stream.indirect_vreg.gather [hbm4b:s6+s3], $0x80, v4, vm0, $0xb8;
	[tilespmem:$0x10080] =	vst v63  }
0x6b: {  	_ = 	snop  }
0x6c: {  	[tilespmem:s28], [sflag:$0x1] =	stream.indirect_vreg.gather [hbm4b:s1+s3], $0x80, v3, vm0, $0xb8;
	[tilespmem:$0x10080] =	vst v63  }
0x6d: {  	_ = 	snop  }
0x6e: {  	[tilespmem:s29], [sflag:$0x1] =	stream.indirect_vreg.gather [hbm4b:s4+s3], $0x80, v3, vm0, $0xb8;
	[tilespmem:$0x10080] =	vst v63  }
0x6f: {  	_ = 	snop  }
0x70: {  	[tilespmem:s30], [sflag:$0x1] =	stream.indirect_vreg.gather [hbm4b:s5+s3], $0x80, v3, vm0, $0xb8;
	[tilespmem:$0x10080] =	vst v63  }
0x71: {  	_ = 	snop  }
0x72: {  	[tilespmem:s31], [sflag:$0x1] =	stream.indirect_vreg.gather [hbm4b:s6+s3], $0x80, v3, vm0, $0xb8;
	[tilespmem:$0x10080] =	vst v63  }
0x73: {  	_ =	swait.ge [sflag:s2], $0x10000  }
0x74: {  	p0 =	sne.s32 s7, $0x1;
	[sflag:s2] =	ssyncset.done $0x0  }
.Ltmp0:
0x75: {  	s10 =	rddreg [dreg:$0x5];
	[sflag:s2] =	ssyncadd.s32 $0xFFFF0000;
	(pc) =	sbr.rel @p0 .LBB2_1-.Ltmp0, $4  }
0x76: {  	[hbm4b:s10+s3] =	stream.linear.scatter [tilespmem:s9], [sflag:$0x2], $0x10000, $0x38;
	[tilespmem:$0x10080] =	vst v63  }
0x77: {  	_ =	swait.ge [sflag:s8], $0x10000  }
0x78: {  	[sflag:s8] =	ssyncset.done $0x0  }
0x79: {  	s7 =	sadd.s32 $0xFFFFFFFF, s7;
	[sflag:s8] =	ssyncadd.s32 $0xFFFF0000  }
0x7a: {  	_ =	sfence.sel $0x180000  }
0x7b: {  	[bflag:$0x0] =	sbarrier.arrive $0xFFFF  }
0x7c: {  	_ =	strace $0x90000047  }
0x7d: {  	s0 =	stileid.u32;
	[bflag:$0x2] =	sbarrier.arrive $0xFFFF  }
0x7e: {  	p0 =	sne.s32 s0, $0x0;
	s0 =	rddreg [dreg:$0x3]  }
0x7f: {  	s0 =	sadd.s32 @!p0 $0x100000, s0  }
0x80: {  	[sflag:s0] =	ssyncadd.tile.s32 @!p0 $0x1;
	_ =	shalt  }
.Lfunc_end2:
_tile_overlayer_lowered:
.L_overlay_start_2:
0x81: {  	(tag) =	ssettag $0x2  }
0x82: {  	s0 =	rddreg [dreg:$0x0];
	s2 =	stileid.u32  }
0x83: {  	s1 =	rddreg [dreg:$0x1];
	p0 =	sne.s32 s2, $0x0  }
0x84: {  	s3 =	rddreg [dreg:$0x2];
	[bflag:$0x3] =	sbarrier.arrive $0xFFFF;
	s2 =	simm.s32 @!p0 $0x1C02  }
0x85: {  	[timem:s3], [sflag:s2] =	dma.local @!p0 [hbm:s0], s1  }
0x86: {  	s0 =	simm.s32 @!p0 $0x2  }
0x87: {  	_ =	swait.ge @!p0 [sflag:s0], s1  }
0x88: {  	s1 =	ssub.s32 @!p0 $0x0, s1;
	[sflag:s0] =	ssyncset.done @!p0 $0x0  }
0x89: {  	[sflag:s0] =	ssyncadd.s32 @!p0 s1  }
0x8a: {  	[bflag:$0x3] =	sbarrier.arrive $0xFFFF  }
0x8b: {  	_ =	shalt  }

</sc_bundles>
